<compile_context>
chip_gen: v7x
topology: tpu7x:2x2x1
jax: 0.10.2.dev20260603
libtpu: 0.0.44.dev20260713+nightly
codegen_flags: <defaults>
</compile_context>

<pallas_src>
import functools

import jax
import jax.numpy as jnp
from jax import lax
from jax.experimental import pallas as pl
from jax.experimental.pallas import tpu as pltpu
from jax.experimental.pallas import tpu_sc as plsc

N = 16384
L = 200
D = 32
B = N * L

_info = plsc.get_sparse_core_info()
NC = _info.num_cores
NS = _info.num_subcores
NW = NC * NS
LT = L // 8
NT = N // 128
BLOCKS = LT * NT
BPW = BLOCKS // NW


@functools.partial(
    pl.kernel,
    mesh=plsc.VectorSubcoreMesh(core_axis_name="c", subcore_axis_name="s"),
    out_type=jax.ShapeDtypeStruct((L, 4, NT, 8, 128), jnp.float32),
    scratch_types=[
        pltpu.VMEM((1024,), jnp.int32),
        pltpu.VMEM((1024,), jnp.int32),
        pltpu.VMEM((1024, 32), jnp.float32),
        pltpu.VMEM((1024, 32), jnp.float32),
        pltpu.VMEM((8, 32, 129), jnp.float32),
        pltpu.SemaphoreType.DMA,
        pltpu.SemaphoreType.DMA,
        pltpu.SemaphoreType.DMA,
    ],
    compiler_params=pltpu.CompilerParams(
        use_tc_tiling_on_sc=False, needs_layout_passes=False),
)
def _gather_kernel(x5_hbm, table_hbm, out5_hbm, idx0, idx1, rows0, rows1,
                   tbuf, gsem, ssem, isem):
    idxs = (idx0, idx1)
    rows = (rows0, rows1)
    wid = lax.axis_index("s") * NC + lax.axis_index("c")
    base = wid * BPW
    iota16 = lax.iota(jnp.int32, 16)
    dhv = [dh * 16 + iota16 for dh in range(2)]

    for b in range(2):
        gid = base + b
        lt, nt = gid // NT, gid % NT
        pltpu.sync_copy(x5_hbm.at[lt, nt], idxs[b])
        pltpu.async_copy(
            table_hbm.at[idxs[b]], rows[b], gsem)

    def group(g, carry):
        for b in range(2):
            k = g * 2 + b
            gid = base + k
            lt, nt = gid // NT, gid % NT

            @pl.when(k > 0)
            def _():
                for dq in range(4):
                    pltpu.make_async_copy(
                        tbuf.at[pl.ds(0, 8), pl.ds(0, 8), pl.ds(0, 128)],
                        out5_hbm.at[pl.ds(0, 8), 0, 0], ssem).wait()

            pltpu.make_async_copy(
                table_hbm.at[idxs[b]], rows[b],
                gsem).wait()

            @pl.when(k < BPW - 2)
            def _():
                gid2 = gid + 2
                pltpu.async_copy(
                    x5_hbm.at[gid2 // NT, gid2 % NT], idxs[b], isem)

            def slloop(sl, c, b=b, lt=lt, nt=nt):
                tsl = tbuf.at[sl]

                @plsc.parallel_loop(0, 128, step=1, unroll=4)
                def lnloop(ln, b=b, sl=sl, tsl=tsl):
                    row = sl * 128 + ln
                    lnsplat = jnp.full((16,), ln, jnp.int32)
                    for dh in range(2):
                        v = rows[b][row, pl.ds(dh * 16, 16)]
                        plsc.store_scatter(tsl, [dhv[dh], lnsplat], v)

                l = lt * 8 + sl
                for dt in range(4):
                    pltpu.async_copy(
                        tbuf.at[sl, pl.ds(dt * 8, 8), pl.ds(0, 128)],
                        out5_hbm.at[l, dt, nt], ssem)
                return c

            lax.fori_loop(0, 8, slloop, 0)

            @pl.when(k < BPW - 2)
            def _():
                gid2 = gid + 2
                pltpu.make_async_copy(
                    x5_hbm.at[gid2 // NT, gid2 % NT], idxs[b], isem).wait()
                pltpu.async_copy(
            table_hbm.at[idxs[b]], rows[b], gsem)
        return carry

    lax.fori_loop(0, BPW // 2, group, 0)

    for dq in range(4):
        pltpu.make_async_copy(
            tbuf.at[pl.ds(0, 8), pl.ds(0, 8), pl.ds(0, 128)],
            out5_hbm.at[pl.ds(0, 8), 0, 0], ssem).wait()


def kernel(x, embeddings):
    x5 = (x.astype(jnp.int32).reshape(128, 128, LT, 8)
         .transpose(2, 0, 3, 1).reshape(LT, NT, 1024))
    out5 = _gather_kernel(x5, embeddings)
    return out5.transpose(2, 4, 0, 1, 3).reshape(N, L, D)

# --- scband reference (transcript-rebuilt; emitter-appended) ---
"""Pipeline reference for scband-embedding-layer-51702816309463 (READ-ONLY COPY).

The authoritative reference and input builder live on the scoring server;
editing this copy changes nothing except your own understanding.
"""

import jax, jax.numpy as jnp
import numpy as np

VOCAB = 1000000
DIM = 32
N = 16384
L = 200

def setup_inputs(seed: int = 0) -> dict:
    key = jax.random.key(seed)
    k1, k2 = jax.random.split(key)
    x = jax.random.randint(k1, (N, L), 0, VOCAB, dtype=jnp.int64 if jax.config.jax_enable_x64 else jnp.int32)
    embeddings = jax.random.normal(k2, (VOCAB, DIM), dtype=jnp.float32)
    return {"x": x, "embeddings": embeddings}

def reference(x, embeddings):
    n, l = x.shape
    d = embeddings.shape[1]
    flat = x.reshape(n * l)
    out = jnp.take(embeddings, flat, axis=0)
    return out.reshape(n, l, d)

if __name__ == "__main__":
    import jax
    _d = setup_inputs()
    print(jax.jit(kernel)(*tuple(_d.values())))

</pallas_src>

<mosaic_0001>
#map = affine_map<(d0, d1) -> (0, 0, 0)>
#map1 = affine_map<(d0, d1) -> (0, 0)>
#map2 = affine_map<(d0, d1) -> (0, 0, 0, 0, 0)>
module attributes {stable_mosaic.version = 14 : i64} {
  func.func @_gather_kernel(%arg0: i32, %arg1: i32, %arg2: memref<25x128x1024xi32, #tpu.memory_space<hbm>>, %arg3: memref<1000000x32xf32, #tpu.memory_space<hbm>>, %arg4: memref<200x4x128x8x128xf32, #tpu.memory_space<hbm>>, %arg5: memref<1024xi32, #tpu.memory_space<vmem>>, %arg6: memref<1024xi32, #tpu.memory_space<vmem>>, %arg7: memref<1024x32xf32, #tpu.memory_space<vmem>>, %arg8: memref<1024x32xf32, #tpu.memory_space<vmem>>, %arg9: memref<8x32x129xf32, #tpu.memory_space<vmem>>, %arg10: memref<!tpu.dma_semaphore, #tpu.memory_space<semaphore_mem>>, %arg11: memref<!tpu.dma_semaphore, #tpu.memory_space<semaphore_mem>>, %arg12: memref<!tpu.dma_semaphore, #tpu.memory_space<semaphore_mem>>) attributes {dimension_semantics = [#tpu.dimension_semantics<core_parallel>, #tpu.dimension_semantics<subcore_parallel>], iteration_bounds = array<i64: 2, 16>, scalar_prefetch = 0 : i64, scratch_operands = 8 : i64, tpu.core_type = #tpu.core_type<sc_vector_subcore>, window_params = [{transform_indices = #map}, {transform_indices = #map1}, {transform_indices = #map2}]} {
    %mul3A = arith.constant 2 : i32
    %mul3A_0 = arith.muli %arg1, %mul3A : i32
    %add3A = arith.addi %mul3A_0, %arg0 : i32
    %mul3A_1 = arith.constant 100 : i32
    %mul3A_2 = arith.muli %add3A, %mul3A_1 : i32
    %iota3A = tpu.iota {dimensions = array<i32: 0>} : vector<16xi32>
    %add3A_3 = arith.constant 0 : i32
    %add3A_4 = vector.broadcast %add3A_3 : i32 to vector<16xi32>
    %add3A_5 = arith.addi %add3A_4, %iota3A : vector<16xi32>
    %add3A_6 = arith.constant 16 : i32
    %add3A_7 = vector.broadcast %add3A_6 : i32 to vector<16xi32>
    %add3A_8 = arith.addi %add3A_7, %iota3A : vector<16xi32>
    %add3A_9 = arith.constant 0 : i32
    %add3A_10 = arith.addi %mul3A_2, %add3A_9 : i32
    %jit3A = arith.constant 128 : i32
    %div3A = arith.divsi %add3A_10, %jit3A : i32
    %sign3A = arith.constant 0 : i32
    %sign3A_11 = arith.cmpi sgt, %add3A_10, %sign3A : i32
    %sign3A_12 = arith.extui %sign3A_11 : i1 to i32
    %sign3A_13 = arith.constant 0 : i32
    %sign3A_14 = arith.cmpi slt, %add3A_10, %sign3A_13 : i32
    %sign3A_15 = arith.extui %sign3A_14 : i1 to i32
    %sign3A_16 = arith.subi %sign3A_12, %sign3A_15 : i32
    %sign3A_17 = arith.constant 0 : i32
    %sign3A_18 = arith.cmpi sgt, %jit3A, %sign3A_17 : i32
    %sign3A_19 = arith.extui %sign3A_18 : i1 to i32
    %sign3A_20 = arith.constant 0 : i32
    %sign3A_21 = arith.cmpi slt, %jit3A, %sign3A_20 : i32
    %sign3A_22 = arith.extui %sign3A_21 : i1 to i32
    %sign3A_23 = arith.subi %sign3A_19, %sign3A_22 : i32
    %ne3A = arith.cmpi ne, %sign3A_16, %sign3A_23 : i32
    %rem3A = arith.remsi %add3A_10, %jit3A : i32
    %ne3A_24 = arith.constant 0 : i32
    %ne3A_25 = arith.cmpi ne, %rem3A, %ne3A_24 : i32
    %and3A = arith.andi %ne3A, %ne3A_25 : i1
    %sub3A = arith.constant 1 : i32
    %sub3A_26 = arith.subi %div3A, %sub3A : i32
    %select_n3A = arith.select %and3A, %sub3A_26, %div3A : i32
    %jit3A_27 = arith.constant 128 : i32
    %eq3A = arith.constant 0 : i32
    %eq3A_28 = arith.cmpi eq, %jit3A_27, %eq3A : i32
    %jit3A_29 = arith.constant 1 : i32
    %select_n3A_30 = arith.select %eq3A_28, %jit3A_29, %jit3A_27 : i32
    %rem3A_31 = arith.remsi %add3A_10, %select_n3A_30 : i32
    %ne3A_32 = arith.constant 0 : i32
    %ne3A_33 = arith.cmpi ne, %rem3A_31, %ne3A_32 : i32
    %lt3A = arith.constant 0 : i32
    %lt3A_34 = arith.cmpi slt, %rem3A_31, %lt3A : i32
    %lt3A_35 = arith.constant 0 : i32
    %lt3A_36 = arith.cmpi slt, %select_n3A_30, %lt3A_35 : i32
    %ne3A_37 = arith.xori %lt3A_34, %lt3A_36 : i1
    %and3A_38 = arith.andi %ne3A_37, %ne3A_33 : i1
    %add3A_39 = arith.addi %rem3A_31, %select_n3A_30 : i32
    %select_n3A_40 = arith.select %and3A_38, %add3A_39, %rem3A_31 : i32
    "tpu.region"() ({
      %run_scoped3A = tpu.sem_alloc : memref<!tpu.dma_semaphore, #tpu.memory_space<semaphore_mem>>
      %dma_start3A_172 = arith.constant 0 : i32
      %dma_start3A_173 = tpu.memref_slice %arg2[%select_n3A, %select_n3A_40, %dma_start3A_172] : memref<25x128x1024xi32, #tpu.memory_space<hbm>> -> memref<1x1x1024xi32, #tpu.memory_space<hbm>>
      %dma_start3A_174 = tpu.memref_squeeze %dma_start3A_173 : memref<1x1x1024xi32, #tpu.memory_space<hbm>> -> memref<1024xi32, #tpu.memory_space<hbm>>
      %dma_start3A_175 = arith.constant 0 : i32
      %dma_start3A_176 = tpu.memref_slice %arg2[%select_n3A, %select_n3A_40, %dma_start3A_175] : memref<25x128x1024xi32, #tpu.memory_space<hbm>> -> memref<1x1x1024xi32, #tpu.memory_space<hbm>>
      %dma_start3A_177 = tpu.memref_squeeze %dma_start3A_176 : memref<1x1x1024xi32, #tpu.memory_space<hbm>> -> memref<1024xi32, #tpu.memory_space<hbm>>
      tpu.enqueue_dma source(%dma_start3A_177 : memref<1024xi32, #tpu.memory_space<hbm>>) target(%arg5 : memref<1024xi32, #tpu.memory_space<vmem>>) target_semaphore(%run_scoped3A : memref<!tpu.dma_semaphore, #tpu.memory_space<semaphore_mem>>)
      %dma_wait3A_178 = arith.constant 0 : i32
      %dma_wait3A_179 = tpu.memref_slice %arg2[%select_n3A, %select_n3A_40, %dma_wait3A_178] : memref<25x128x1024xi32, #tpu.memory_space<hbm>> -> memref<1x1x1024xi32, #tpu.memory_space<hbm>>
      %dma_wait3A_180 = tpu.memref_squeeze %dma_wait3A_179 : memref<1x1x1024xi32, #tpu.memory_space<hbm>> -> memref<1024xi32, #tpu.memory_space<hbm>>
      %dma_wait3A_181 = arith.constant 0 : i32
      %dma_wait3A_182 = tpu.memref_slice %arg2[%select_n3A, %select_n3A_40, %dma_wait3A_181] : memref<25x128x1024xi32, #tpu.memory_space<hbm>> -> memref<1x1x1024xi32, #tpu.memory_space<hbm>>
      %dma_wait3A_183 = tpu.memref_squeeze %dma_wait3A_182 : memref<1x1x1024xi32, #tpu.memory_space<hbm>> -> memref<1024xi32, #tpu.memory_space<hbm>>
      tpu.wait_dma2 semaphore(%run_scoped3A : memref<!tpu.dma_semaphore, #tpu.memory_space<semaphore_mem>>) src(%dma_wait3A_183 : memref<1024xi32, #tpu.memory_space<hbm>>) dst(%arg5 : memref<1024xi32, #tpu.memory_space<vmem>>)
      tpu.yield
    }) : () -> ()
    %dma_start3A = arith.constant 0 : i32
    %dma_start3A_41 = arith.constant 0 : i32
    %dma_start3A_42 = tpu.memref_slice %arg3[%dma_start3A, %dma_start3A_41] : memref<1000000x32xf32, #tpu.memory_space<hbm>> -> memref<1000000x32xf32, #tpu.memory_space<hbm>>
    tpu.enqueue_indirect_dma source(%dma_start3A_42 : memref<1000000x32xf32, #tpu.memory_space<hbm>>) target(%arg7 : memref<1024x32xf32, #tpu.memory_space<vmem>>) offsets(%arg5 : memref<1024xi32, #tpu.memory_space<vmem>>) semaphore(%arg10 : memref<!tpu.dma_semaphore, #tpu.memory_space<semaphore_mem>>)
    %add3A_43 = arith.constant 1 : i32
    %add3A_44 = arith.addi %mul3A_2, %add3A_43 : i32
    %jit3A_45 = arith.constant 128 : i32
    %div3A_46 = arith.divsi %add3A_44, %jit3A_45 : i32
    %sign3A_47 = arith.constant 0 : i32
    %sign3A_48 = arith.cmpi sgt, %add3A_44, %sign3A_47 : i32
    %sign3A_49 = arith.extui %sign3A_48 : i1 to i32
    %sign3A_50 = arith.constant 0 : i32
    %sign3A_51 = arith.cmpi slt, %add3A_44, %sign3A_50 : i32
    %sign3A_52 = arith.extui %sign3A_51 : i1 to i32
    %sign3A_53 = arith.subi %sign3A_49, %sign3A_52 : i32
    %sign3A_54 = arith.constant 0 : i32
    %sign3A_55 = arith.cmpi sgt, %jit3A_45, %sign3A_54 : i32
    %sign3A_56 = arith.extui %sign3A_55 : i1 to i32
    %sign3A_57 = arith.constant 0 : i32
    %sign3A_58 = arith.cmpi slt, %jit3A_45, %sign3A_57 : i32
    %sign3A_59 = arith.extui %sign3A_58 : i1 to i32
    %sign3A_60 = arith.subi %sign3A_56, %sign3A_59 : i32
    %ne3A_61 = arith.cmpi ne, %sign3A_53, %sign3A_60 : i32
    %rem3A_62 = arith.remsi %add3A_44, %jit3A_45 : i32
    %ne3A_63 = arith.constant 0 : i32
    %ne3A_64 = arith.cmpi ne, %rem3A_62, %ne3A_63 : i32
    %and3A_65 = arith.andi %ne3A_61, %ne3A_64 : i1
    %sub3A_66 = arith.constant 1 : i32
    %sub3A_67 = arith.subi %div3A_46, %sub3A_66 : i32
    %select_n3A_68 = arith.select %and3A_65, %sub3A_67, %div3A_46 : i32
    %jit3A_69 = arith.constant 128 : i32
    %eq3A_70 = arith.constant 0 : i32
    %eq3A_71 = arith.cmpi eq, %jit3A_69, %eq3A_70 : i32
    %jit3A_72 = arith.constant 1 : i32
    %select_n3A_73 = arith.select %eq3A_71, %jit3A_72, %jit3A_69 : i32
    %rem3A_74 = arith.remsi %add3A_44, %select_n3A_73 : i32
    %ne3A_75 = arith.constant 0 : i32
    %ne3A_76 = arith.cmpi ne, %rem3A_74, %ne3A_75 : i32
    %lt3A_77 = arith.constant 0 : i32
    %lt3A_78 = arith.cmpi slt, %rem3A_74, %lt3A_77 : i32
    %lt3A_79 = arith.constant 0 : i32
    %lt3A_80 = arith.cmpi slt, %select_n3A_73, %lt3A_79 : i32
    %ne3A_81 = arith.xori %lt3A_78, %lt3A_80 : i1
    %and3A_82 = arith.andi %ne3A_81, %ne3A_76 : i1
    %add3A_83 = arith.addi %rem3A_74, %select_n3A_73 : i32
    %select_n3A_84 = arith.select %and3A_82, %add3A_83, %rem3A_74 : i32
    "tpu.region"() ({
      %run_scoped3A = tpu.sem_alloc : memref<!tpu.dma_semaphore, #tpu.memory_space<semaphore_mem>>
      %dma_start3A_172 = arith.constant 0 : i32
      %dma_start3A_173 = tpu.memref_slice %arg2[%select_n3A_68, %select_n3A_84, %dma_start3A_172] : memref<25x128x1024xi32, #tpu.memory_space<hbm>> -> memref<1x1x1024xi32, #tpu.memory_space<hbm>>
      %dma_start3A_174 = tpu.memref_squeeze %dma_start3A_173 : memref<1x1x1024xi32, #tpu.memory_space<hbm>> -> memref<1024xi32, #tpu.memory_space<hbm>>
      %dma_start3A_175 = arith.constant 0 : i32
      %dma_start3A_176 = tpu.memref_slice %arg2[%select_n3A_68, %select_n3A_84, %dma_start3A_175] : memref<25x128x1024xi32, #tpu.memory_space<hbm>> -> memref<1x1x1024xi32, #tpu.memory_space<hbm>>
      %dma_start3A_177 = tpu.memref_squeeze %dma_start3A_176 : memref<1x1x1024xi32, #tpu.memory_space<hbm>> -> memref<1024xi32, #tpu.memory_space<hbm>>
      tpu.enqueue_dma source(%dma_start3A_177 : memref<1024xi32, #tpu.memory_space<hbm>>) target(%arg6 : memref<1024xi32, #tpu.memory_space<vmem>>) target_semaphore(%run_scoped3A : memref<!tpu.dma_semaphore, #tpu.memory_space<semaphore_mem>>)
      %dma_wait3A_178 = arith.constant 0 : i32
      %dma_wait3A_179 = tpu.memref_slice %arg2[%select_n3A_68, %select_n3A_84, %dma_wait3A_178] : memref<25x128x1024xi32, #tpu.memory_space<hbm>> -> memref<1x1x1024xi32, #tpu.memory_space<hbm>>
      %dma_wait3A_180 = tpu.memref_squeeze %dma_wait3A_179 : memref<1x1x1024xi32, #tpu.memory_space<hbm>> -> memref<1024xi32, #tpu.memory_space<hbm>>
      %dma_wait3A_181 = arith.constant 0 : i32
      %dma_wait3A_182 = tpu.memref_slice %arg2[%select_n3A_68, %select_n3A_84, %dma_wait3A_181] : memref<25x128x1024xi32, #tpu.memory_space<hbm>> -> memref<1x1x1024xi32, #tpu.memory_space<hbm>>
      %dma_wait3A_183 = tpu.memref_squeeze %dma_wait3A_182 : memref<1x1x1024xi32, #tpu.memory_space<hbm>> -> memref<1024xi32, #tpu.memory_space<hbm>>
      tpu.wait_dma2 semaphore(%run_scoped3A : memref<!tpu.dma_semaphore, #tpu.memory_space<semaphore_mem>>) src(%dma_wait3A_183 : memref<1024xi32, #tpu.memory_space<hbm>>) dst(%arg6 : memref<1024xi32, #tpu.memory_space<vmem>>)
      tpu.yield
    }) : () -> ()
    %dma_start3A_85 = arith.constant 0 : i32
    %dma_start3A_86 = arith.constant 0 : i32
    %dma_start3A_87 = tpu.memref_slice %arg3[%dma_start3A_85, %dma_start3A_86] : memref<1000000x32xf32, #tpu.memory_space<hbm>> -> memref<1000000x32xf32, #tpu.memory_space<hbm>>
    tpu.enqueue_indirect_dma source(%dma_start3A_87 : memref<1000000x32xf32, #tpu.memory_space<hbm>>) target(%arg8 : memref<1024x32xf32, #tpu.memory_space<vmem>>) offsets(%arg6 : memref<1024xi32, #tpu.memory_space<vmem>>) semaphore(%arg10 : memref<!tpu.dma_semaphore, #tpu.memory_space<semaphore_mem>>)
    %scan3A = arith.constant 0 : i32
    %scan3A_88 = arith.constant 0 : i32
    %scan3A_89 = arith.constant 50 : i32
    %scan3A_90 = arith.addi %scan3A_88, %scan3A_89 : i32
    %scan3A_91 = arith.constant 1 : i32
    scf.for %scan3A_172 = %scan3A_88 to %scan3A_90 step %scan3A_91  : i32 {
      %mul3A_173 = arith.constant 2 : i32
      %mul3A_174 = arith.muli %scan3A_172, %mul3A_173 : i32
      %add3A_175 = arith.constant 0 : i32
      %add3A_176 = arith.addi %mul3A_174, %add3A_175 : i32
      %add3A_177 = arith.addi %mul3A_2, %add3A_176 : i32
      %jit3A_178 = arith.constant 128 : i32
      %div3A_179 = arith.divsi %add3A_177, %jit3A_178 : i32
      %sign3A_180 = arith.constant 0 : i32
      %sign3A_181 = arith.cmpi sgt, %add3A_177, %sign3A_180 : i32
      %sign3A_182 = arith.extui %sign3A_181 : i1 to i32
      %sign3A_183 = arith.constant 0 : i32
      %sign3A_184 = arith.cmpi slt, %add3A_177, %sign3A_183 : i32
      %sign3A_185 = arith.extui %sign3A_184 : i1 to i32
      %sign3A_186 = arith.subi %sign3A_182, %sign3A_185 : i32
      %sign3A_187 = arith.constant 0 : i32
      %sign3A_188 = arith.cmpi sgt, %jit3A_178, %sign3A_187 : i32
      %sign3A_189 = arith.extui %sign3A_188 : i1 to i32
      %sign3A_190 = arith.constant 0 : i32
      %sign3A_191 = arith.cmpi slt, %jit3A_178, %sign3A_190 : i32
      %sign3A_192 = arith.extui %sign3A_191 : i1 to i32
      %sign3A_193 = arith.subi %sign3A_189, %sign3A_192 : i32
      %ne3A_194 = arith.cmpi ne, %sign3A_186, %sign3A_193 : i32
      %rem3A_195 = arith.remsi %add3A_177, %jit3A_178 : i32
      %ne3A_196 = arith.constant 0 : i32
      %ne3A_197 = arith.cmpi ne, %rem3A_195, %ne3A_196 : i32
      %and3A_198 = arith.andi %ne3A_194, %ne3A_197 : i1
      %sub3A_199 = arith.constant 1 : i32
      %sub3A_200 = arith.subi %div3A_179, %sub3A_199 : i32
      %select_n3A_201 = arith.select %and3A_198, %sub3A_200, %div3A_179 : i32
      %jit3A_202 = arith.constant 128 : i32
      %eq3A_203 = arith.constant 0 : i32
      %eq3A_204 = arith.cmpi eq, %jit3A_202, %eq3A_203 : i32
      %jit3A_205 = arith.constant 1 : i32
      %select_n3A_206 = arith.select %eq3A_204, %jit3A_205, %jit3A_202 : i32
      %rem3A_207 = arith.remsi %add3A_177, %select_n3A_206 : i32
      %ne3A_208 = arith.constant 0 : i32
      %ne3A_209 = arith.cmpi ne, %rem3A_207, %ne3A_208 : i32
      %lt3A_210 = arith.constant 0 : i32
      %lt3A_211 = arith.cmpi slt, %rem3A_207, %lt3A_210 : i32
      %lt3A_212 = arith.constant 0 : i32
      %lt3A_213 = arith.cmpi slt, %select_n3A_206, %lt3A_212 : i32
      %ne3A_214 = arith.xori %lt3A_211, %lt3A_213 : i1
      %and3A_215 = arith.andi %ne3A_214, %ne3A_209 : i1
      %add3A_216 = arith.addi %rem3A_207, %select_n3A_206 : i32
      %select_n3A_217 = arith.select %and3A_215, %add3A_216, %rem3A_207 : i32
      %gt3A = arith.constant 0 : i32
      %gt3A_218 = arith.cmpi sgt, %add3A_176, %gt3A : i32
      %convert_element_type3A = arith.extui %gt3A_218 : i1 to i32
      %cond3A = arith.constant 0 : i32
      %cond3A_219 = arith.cmpi ne, %convert_element_type3A, %cond3A : i32
      scf.if %cond3A_219 {
        %dma_wait3A_308 = arith.constant 0 : i32
        %dma_wait3A_309 = arith.constant 0 : i32
        %dma_wait3A_310 = arith.constant 0 : i32
        %dma_wait3A_311 = arith.constant 0 : i32
        %dma_wait3A_312 = arith.constant 0 : i32
        %dma_wait3A_313 = tpu.memref_slice %arg9[%dma_wait3A_310, %dma_wait3A_311, %dma_wait3A_312] : memref<8x32x129xf32, #tpu.memory_space<vmem>> -> memref<8x8x128xf32, #tpu.memory_space<vmem>>
        %dma_wait3A_314 = arith.constant 0 : i32
        %dma_wait3A_315 = arith.constant 0 : i32
        %dma_wait3A_316 = arith.constant 0 : i32
        %dma_wait3A_317 = tpu.memref_slice %arg4[%dma_wait3A_314, %dma_wait3A_308, %dma_wait3A_309, %dma_wait3A_315, %dma_wait3A_316] : memref<200x4x128x8x128xf32, #tpu.memory_space<hbm>> -> memref<8x1x1x8x128xf32, #tpu.memory_space<hbm>>
        %dma_wait3A_318 = tpu.memref_squeeze %dma_wait3A_317 : memref<8x1x1x8x128xf32, #tpu.memory_space<hbm>> -> memref<8x8x128xf32, #tpu.memory_space<hbm>>
        %dma_wait3A_319 = arith.constant 0 : i32
        %dma_wait3A_320 = arith.constant 0 : i32
        %dma_wait3A_321 = arith.constant 0 : i32
        %dma_wait3A_322 = tpu.memref_slice %arg4[%dma_wait3A_319, %dma_wait3A_308, %dma_wait3A_309, %dma_wait3A_320, %dma_wait3A_321] : memref<200x4x128x8x128xf32, #tpu.memory_space<hbm>> -> memref<8x1x1x8x128xf32, #tpu.memory_space<hbm>>
        %dma_wait3A_323 = tpu.memref_squeeze %dma_wait3A_322 : memref<8x1x1x8x128xf32, #tpu.memory_space<hbm>> -> memref<8x8x128xf32, #tpu.memory_space<hbm>>
        %dma_wait3A_324 = arith.constant 0 : i32
        %dma_wait3A_325 = arith.constant 0 : i32
        %dma_wait3A_326 = arith.constant 0 : i32
        %dma_wait3A_327 = tpu.memref_slice %arg9[%dma_wait3A_324, %dma_wait3A_325, %dma_wait3A_326] : memref<8x32x129xf32, #tpu.memory_space<vmem>> -> memref<8x8x128xf32, #tpu.memory_space<vmem>>
        tpu.wait_dma2 semaphore(%arg11 : memref<!tpu.dma_semaphore, #tpu.memory_space<semaphore_mem>>) src(%dma_wait3A_327 : memref<8x8x128xf32, #tpu.memory_space<vmem>>) dst(%dma_wait3A_323 : memref<8x8x128xf32, #tpu.memory_space<hbm>>)
        %dma_wait3A_328 = arith.constant 0 : i32
        %dma_wait3A_329 = arith.constant 0 : i32
        %dma_wait3A_330 = arith.constant 0 : i32
        %dma_wait3A_331 = arith.constant 0 : i32
        %dma_wait3A_332 = arith.constant 0 : i32
        %dma_wait3A_333 = tpu.memref_slice %arg9[%dma_wait3A_330, %dma_wait3A_331, %dma_wait3A_332] : memref<8x32x129xf32, #tpu.memory_space<vmem>> -> memref<8x8x128xf32, #tpu.memory_space<vmem>>
        %dma_wait3A_334 = arith.constant 0 : i32
        %dma_wait3A_335 = arith.constant 0 : i32
        %dma_wait3A_336 = arith.constant 0 : i32
        %dma_wait3A_337 = tpu.memref_slice %arg4[%dma_wait3A_334, %dma_wait3A_328, %dma_wait3A_329, %dma_wait3A_335, %dma_wait3A_336] : memref<200x4x128x8x128xf32, #tpu.memory_space<hbm>> -> memref<8x1x1x8x128xf32, #tpu.memory_space<hbm>>
        %dma_wait3A_338 = tpu.memref_squeeze %dma_wait3A_337 : memref<8x1x1x8x128xf32, #tpu.memory_space<hbm>> -> memref<8x8x128xf32, #tpu.memory_space<hbm>>
        %dma_wait3A_339 = arith.constant 0 : i32
        %dma_wait3A_340 = arith.constant 0 : i32
        %dma_wait3A_341 = arith.constant 0 : i32
        %dma_wait3A_342 = tpu.memref_slice %arg4[%dma_wait3A_339, %dma_wait3A_328, %dma_wait3A_329, %dma_wait3A_340, %dma_wait3A_341] : memref<200x4x128x8x128xf32, #tpu.memory_space<hbm>> -> memref<8x1x1x8x128xf32, #tpu.memory_space<hbm>>
        %dma_wait3A_343 = tpu.memref_squeeze %dma_wait3A_342 : memref<8x1x1x8x128xf32, #tpu.memory_space<hbm>> -> memref<8x8x128xf32, #tpu.memory_space<hbm>>
        %dma_wait3A_344 = arith.constant 0 : i32
        %dma_wait3A_345 = arith.constant 0 : i32
        %dma_wait3A_346 = arith.constant 0 : i32
        %dma_wait3A_347 = tpu.memref_slice %arg9[%dma_wait3A_344, %dma_wait3A_345, %dma_wait3A_346] : memref<8x32x129xf32, #tpu.memory_space<vmem>> -> memref<8x8x128xf32, #tpu.memory_space<vmem>>
        tpu.wait_dma2 semaphore(%arg11 : memref<!tpu.dma_semaphore, #tpu.memory_space<semaphore_mem>>) src(%dma_wait3A_347 : memref<8x8x128xf32, #tpu.memory_space<vmem>>) dst(%dma_wait3A_343 : memref<8x8x128xf32, #tpu.memory_space<hbm>>)
        %dma_wait3A_348 = arith.constant 0 : i32
        %dma_wait3A_349 = arith.constant 0 : i32
        %dma_wait3A_350 = arith.constant 0 : i32
        %dma_wait3A_351 = arith.constant 0 : i32
        %dma_wait3A_352 = arith.constant 0 : i32
        %dma_wait3A_353 = tpu.memref_slice %arg9[%dma_wait3A_350, %dma_wait3A_351, %dma_wait3A_352] : memref<8x32x129xf32, #tpu.memory_space<vmem>> -> memref<8x8x128xf32, #tpu.memory_space<vmem>>
        %dma_wait3A_354 = arith.constant 0 : i32
        %dma_wait3A_355 = arith.constant 0 : i32
        %dma_wait3A_356 = arith.constant 0 : i32
        %dma_wait3A_357 = tpu.memref_slice %arg4[%dma_wait3A_354, %dma_wait3A_348, %dma_wait3A_349, %dma_wait3A_355, %dma_wait3A_356] : memref<200x4x128x8x128xf32, #tpu.memory_space<hbm>> -> memref<8x1x1x8x128xf32, #tpu.memory_space<hbm>>
        %dma_wait3A_358 = tpu.memref_squeeze %dma_wait3A_357 : memref<8x1x1x8x128xf32, #tpu.memory_space<hbm>> -> memref<8x8x128xf32, #tpu.memory_space<hbm>>
        %dma_wait3A_359 = arith.constant 0 : i32
        %dma_wait3A_360 = arith.constant 0 : i32
        %dma_wait3A_361 = arith.constant 0 : i32
        %dma_wait3A_362 = tpu.memref_slice %arg4[%dma_wait3A_359, %dma_wait3A_348, %dma_wait3A_349, %dma_wait3A_360, %dma_wait3A_361] : memref<200x4x128x8x128xf32, #tpu.memory_space<hbm>> -> memref<8x1x1x8x128xf32, #tpu.memory_space<hbm>>
        %dma_wait3A_363 = tpu.memref_squeeze %dma_wait3A_362 : memref<8x1x1x8x128xf32, #tpu.memory_space<hbm>> -> memref<8x8x128xf32, #tpu.memory_space<hbm>>
        %dma_wait3A_364 = arith.constant 0 : i32
        %dma_wait3A_365 = arith.constant 0 : i32
        %dma_wait3A_366 = arith.constant 0 : i32
        %dma_wait3A_367 = tpu.memref_slice %arg9[%dma_wait3A_364, %dma_wait3A_365, %dma_wait3A_366] : memref<8x32x129xf32, #tpu.memory_space<vmem>> -> memref<8x8x128xf32, #tpu.memory_space<vmem>>
        tpu.wait_dma2 semaphore(%arg11 : memref<!tpu.dma_semaphore, #tpu.memory_space<semaphore_mem>>) src(%dma_wait3A_367 : memref<8x8x128xf32, #tpu.memory_space<vmem>>) dst(%dma_wait3A_363 : memref<8x8x128xf32, #tpu.memory_space<hbm>>)
        %dma_wait3A_368 = arith.constant 0 : i32
        %dma_wait3A_369 = arith.constant 0 : i32
        %dma_wait3A_370 = arith.constant 0 : i32
        %dma_wait3A_371 = arith.constant 0 : i32
        %dma_wait3A_372 = arith.constant 0 : i32
        %dma_wait3A_373 = tpu.memref_slice %arg9[%dma_wait3A_370, %dma_wait3A_371, %dma_wait3A_372] : memref<8x32x129xf32, #tpu.memory_space<vmem>> -> memref<8x8x128xf32, #tpu.memory_space<vmem>>
        %dma_wait3A_374 = arith.constant 0 : i32
        %dma_wait3A_375 = arith.constant 0 : i32
        %dma_wait3A_376 = arith.constant 0 : i32
        %dma_wait3A_377 = tpu.memref_slice %arg4[%dma_wait3A_374, %dma_wait3A_368, %dma_wait3A_369, %dma_wait3A_375, %dma_wait3A_376] : memref<200x4x128x8x128xf32, #tpu.memory_space<hbm>> -> memref<8x1x1x8x128xf32, #tpu.memory_space<hbm>>
        %dma_wait3A_378 = tpu.memref_squeeze %dma_wait3A_377 : memref<8x1x1x8x128xf32, #tpu.memory_space<hbm>> -> memref<8x8x128xf32, #tpu.memory_space<hbm>>
        %dma_wait3A_379 = arith.constant 0 : i32
        %dma_wait3A_380 = arith.constant 0 : i32
        %dma_wait3A_381 = arith.constant 0 : i32
        %dma_wait3A_382 = tpu.memref_slice %arg4[%dma_wait3A_379, %dma_wait3A_368, %dma_wait3A_369, %dma_wait3A_380, %dma_wait3A_381] : memref<200x4x128x8x128xf32, #tpu.memory_space<hbm>> -> memref<8x1x1x8x128xf32, #tpu.memory_space<hbm>>
        %dma_wait3A_383 = tpu.memref_squeeze %dma_wait3A_382 : memref<8x1x1x8x128xf32, #tpu.memory_space<hbm>> -> memref<8x8x128xf32, #tpu.memory_space<hbm>>
        %dma_wait3A_384 = arith.constant 0 : i32
        %dma_wait3A_385 = arith.constant 0 : i32
        %dma_wait3A_386 = arith.constant 0 : i32
        %dma_wait3A_387 = tpu.memref_slice %arg9[%dma_wait3A_384, %dma_wait3A_385, %dma_wait3A_386] : memref<8x32x129xf32, #tpu.memory_space<vmem>> -> memref<8x8x128xf32, #tpu.memory_space<vmem>>
        tpu.wait_dma2 semaphore(%arg11 : memref<!tpu.dma_semaphore, #tpu.memory_space<semaphore_mem>>) src(%dma_wait3A_387 : memref<8x8x128xf32, #tpu.memory_space<vmem>>) dst(%dma_wait3A_383 : memref<8x8x128xf32, #tpu.memory_space<hbm>>)
      } else {
      }
      %dma_wait3A_220 = arith.constant 0 : i32
      %dma_wait3A_221 = arith.constant 0 : i32
      %dma_wait3A_222 = tpu.memref_slice %arg3[%dma_wait3A_220, %dma_wait3A_221] : memref<1000000x32xf32, #tpu.memory_space<hbm>> -> memref<1000000x32xf32, #tpu.memory_space<hbm>>
      tpu.wait_indirect_dma semaphore(%arg10 : memref<!tpu.dma_semaphore, #tpu.memory_space<semaphore_mem>>) src(%dma_wait3A_222 : memref<1000000x32xf32, #tpu.memory_space<hbm>>) dst(%arg7 : memref<1024x32xf32, #tpu.memory_space<vmem>>)
      %lt3A_223 = arith.constant 98 : i32
      %lt3A_224 = arith.cmpi slt, %add3A_176, %lt3A_223 : i32
      %convert_element_type3A_225 = arith.extui %lt3A_224 : i1 to i32
      %cond3A_226 = arith.constant 0 : i32
      %cond3A_227 = arith.cmpi ne, %convert_element_type3A_225, %cond3A_226 : i32
      scf.if %cond3A_227 {
        %add3A_308 = arith.constant 2 : i32
        %add3A_309 = arith.addi %add3A_177, %add3A_308 : i32
        %jit3A_310 = arith.constant 128 : i32
        %div3A_311 = arith.divsi %add3A_309, %jit3A_310 : i32
        %sign3A_312 = arith.constant 0 : i32
        %sign3A_313 = arith.cmpi sgt, %add3A_309, %sign3A_312 : i32
        %sign3A_314 = arith.extui %sign3A_313 : i1 to i32
        %sign3A_315 = arith.constant 0 : i32
        %sign3A_316 = arith.cmpi slt, %add3A_309, %sign3A_315 : i32
        %sign3A_317 = arith.extui %sign3A_316 : i1 to i32
        %sign3A_318 = arith.subi %sign3A_314, %sign3A_317 : i32
        %sign3A_319 = arith.constant 0 : i32
        %sign3A_320 = arith.cmpi sgt, %jit3A_310, %sign3A_319 : i32
        %sign3A_321 = arith.extui %sign3A_320 : i1 to i32
        %sign3A_322 = arith.constant 0 : i32
        %sign3A_323 = arith.cmpi slt, %jit3A_310, %sign3A_322 : i32
        %sign3A_324 = arith.extui %sign3A_323 : i1 to i32
        %sign3A_325 = arith.subi %sign3A_321, %sign3A_324 : i32
        %ne3A_326 = arith.cmpi ne, %sign3A_318, %sign3A_325 : i32
        %rem3A_327 = arith.remsi %add3A_309, %jit3A_310 : i32
        %ne3A_328 = arith.constant 0 : i32
        %ne3A_329 = arith.cmpi ne, %rem3A_327, %ne3A_328 : i32
        %and3A_330 = arith.andi %ne3A_326, %ne3A_329 : i1
        %sub3A_331 = arith.constant 1 : i32
        %sub3A_332 = arith.subi %div3A_311, %sub3A_331 : i32
        %select_n3A_333 = arith.select %and3A_330, %sub3A_332, %div3A_311 : i32
        %jit3A_334 = arith.constant 128 : i32
        %eq3A_335 = arith.constant 0 : i32
        %eq3A_336 = arith.cmpi eq, %jit3A_334, %eq3A_335 : i32
        %jit3A_337 = arith.constant 1 : i32
        %select_n3A_338 = arith.select %eq3A_336, %jit3A_337, %jit3A_334 : i32
        %rem3A_339 = arith.remsi %add3A_309, %select_n3A_338 : i32
        %ne3A_340 = arith.constant 0 : i32
        %ne3A_341 = arith.cmpi ne, %rem3A_339, %ne3A_340 : i32
        %lt3A_342 = arith.constant 0 : i32
        %lt3A_343 = arith.cmpi slt, %rem3A_339, %lt3A_342 : i32
        %lt3A_344 = arith.constant 0 : i32
        %lt3A_345 = arith.cmpi slt, %select_n3A_338, %lt3A_344 : i32
        %ne3A_346 = arith.xori %lt3A_343, %lt3A_345 : i1
        %and3A_347 = arith.andi %ne3A_346, %ne3A_341 : i1
        %add3A_348 = arith.addi %rem3A_339, %select_n3A_338 : i32
        %select_n3A_349 = arith.select %and3A_347, %add3A_348, %rem3A_339 : i32
        %dma_start3A_350 = arith.constant 0 : i32
        %dma_start3A_351 = tpu.memref_slice %arg2[%select_n3A_333, %select_n3A_349, %dma_start3A_350] : memref<25x128x1024xi32, #tpu.memory_space<hbm>> -> memref<1x1x1024xi32, #tpu.memory_space<hbm>>
        %dma_start3A_352 = tpu.memref_squeeze %dma_start3A_351 : memref<1x1x1024xi32, #tpu.memory_space<hbm>> -> memref<1024xi32, #tpu.memory_space<hbm>>
        %dma_start3A_353 = arith.constant 0 : i32
        %dma_start3A_354 = tpu.memref_slice %arg2[%select_n3A_333, %select_n3A_349, %dma_start3A_353] : memref<25x128x1024xi32, #tpu.memory_space<hbm>> -> memref<1x1x1024xi32, #tpu.memory_space<hbm>>
        %dma_start3A_355 = tpu.memref_squeeze %dma_start3A_354 : memref<1x1x1024xi32, #tpu.memory_space<hbm>> -> memref<1024xi32, #tpu.memory_space<hbm>>
        tpu.enqueue_dma source(%dma_start3A_355 : memref<1024xi32, #tpu.memory_space<hbm>>) target(%arg5 : memref<1024xi32, #tpu.memory_space<vmem>>) target_semaphore(%arg12 : memref<!tpu.dma_semaphore, #tpu.memory_space<semaphore_mem>>)
      } else {
      }
      %scan3A_228 = arith.constant 0 : i32
      %scan3A_229 = arith.constant 0 : i32
      %scan3A_230 = arith.constant 8 : i32
      %scan3A_231 = arith.addi %scan3A_229, %scan3A_230 : i32
      %scan3A_232 = arith.constant 1 : i32
      scf.for %scan3A_308 = %scan3A_229 to %scan3A_231 step %scan3A_232  : i32 {
        %parallel_loop3A = arith.constant 0 : i32
        %parallel_loop3A_309 = arith.constant 128 : i32
        %parallel_loop3A_310 = arith.constant 1 : i32
        scf.for %parallel_loop3A_382 = %parallel_loop3A to %parallel_loop3A_309 step %parallel_loop3A_310  : i32 {
          %parallel_loop3A_383 = arith.constant 128 : i32
          %parallel_loop3A_384 = arith.muli %scan3A_308, %parallel_loop3A_383 : i32
          %parallel_loop3A_385 = arith.addi %parallel_loop3A_384, %parallel_loop3A_382 : i32
          %parallel_loop3A_386 = vector.broadcast %parallel_loop3A_382 : i32 to vector<16xi32>
          %parallel_loop3A_387 = arith.index_cast %parallel_loop3A_385 : i32 to index
          %parallel_loop3A_388 = arith.constant 0 : index
          %parallel_loop3A_389 = tpu.vector_load %arg7[%parallel_loop3A_387, %parallel_loop3A_388] {strides = array<i32>} : memref<1024x32xf32, #tpu.memory_space<vmem>>, vector<16xf32>,
          %parallel_loop3A_390 = arith.constant 0 : i32
          %parallel_loop3A_391 = arith.constant 0 : i32
          %parallel_loop3A_392 = tpu.memref_slice %arg9[%scan3A_308, %parallel_loop3A_390, %parallel_loop3A_391] : memref<8x32x129xf32, #tpu.memory_space<vmem>> -> memref<1x32x129xf32, #tpu.memory_space<vmem>>
          %parallel_loop3A_393 = tpu.memref_squeeze %parallel_loop3A_392 : memref<1x32x129xf32, #tpu.memory_space<vmem>> -> memref<32x129xf32, #tpu.memory_space<vmem>>
          tpu.vector_store_idx %parallel_loop3A_393[%add3A_5, %parallel_loop3A_386], %parallel_loop3A_389 : memref<32x129xf32, #tpu.memory_space<vmem>>[vector<16xi32>, vector<16xi32>], vector<16xf32>,
          %parallel_loop3A_394 = arith.index_cast %parallel_loop3A_385 : i32 to index
          %parallel_loop3A_395 = arith.constant 16 : index
          %parallel_loop3A_396 = tpu.vector_load %arg7[%parallel_loop3A_394, %parallel_loop3A_395] {strides = array<i32>} : memref<1024x32xf32, #tpu.memory_space<vmem>>, vector<16xf32>,
          %parallel_loop3A_397 = arith.constant 0 : i32
          %parallel_loop3A_398 = arith.constant 0 : i32
          %parallel_loop3A_399 = tpu.memref_slice %arg9[%scan3A_308, %parallel_loop3A_397, %parallel_loop3A_398] : memref<8x32x129xf32, #tpu.memory_space<vmem>> -> memref<1x32x129xf32, #tpu.memory_space<vmem>>
          %parallel_loop3A_400 = tpu.memref_squeeze %parallel_loop3A_399 : memref<1x32x129xf32, #tpu.memory_space<vmem>> -> memref<32x129xf32, #tpu.memory_space<vmem>>
          tpu.vector_store_idx %parallel_loop3A_400[%add3A_8, %parallel_loop3A_386], %parallel_loop3A_396 : memref<32x129xf32, #tpu.memory_space<vmem>>[vector<16xi32>, vector<16xi32>], vector<16xf32>,
        } {sc.loop_unroll_factor = 4 : i64, sc.parallel_access}
        %mul3A_311 = arith.constant 8 : i32
        %mul3A_312 = arith.muli %select_n3A_201, %mul3A_311 : i32
        %add3A_313 = arith.addi %mul3A_312, %scan3A_308 : i32
        %dma_start3A_314 = arith.constant 0 : i32
        %dma_start3A_315 = arith.constant 0 : i32
        %dma_start3A_316 = arith.constant 0 : i32
        %dma_start3A_317 = tpu.memref_slice %arg9[%scan3A_308, %dma_start3A_315, %dma_start3A_316] : memref<8x32x129xf32, #tpu.memory_space<vmem>> -> memref<1x8x128xf32, #tpu.memory_space<vmem>>
        %dma_start3A_318 = tpu.memref_squeeze %dma_start3A_317 : memref<1x8x128xf32, #tpu.memory_space<vmem>> -> memref<8x128xf32, #tpu.memory_space<vmem>>
        %dma_start3A_319 = arith.constant 0 : i32
        %dma_start3A_320 = arith.constant 0 : i32
        %dma_start3A_321 = tpu.memref_slice %arg4[%add3A_313, %dma_start3A_314, %select_n3A_217, %dma_start3A_319, %dma_start3A_320] : memref<200x4x128x8x128xf32, #tpu.memory_space<hbm>> -> memref<1x1x1x8x128xf32, #tpu.memory_space<hbm>>
        %dma_start3A_322 = tpu.memref_squeeze %dma_start3A_321 : memref<1x1x1x8x128xf32, #tpu.memory_space<hbm>> -> memref<8x128xf32, #tpu.memory_space<hbm>>
        %dma_start3A_323 = arith.constant 0 : i32
        %dma_start3A_324 = arith.constant 0 : i32
        %dma_start3A_325 = tpu.memref_slice %arg4[%add3A_313, %dma_start3A_314, %select_n3A_217, %dma_start3A_323, %dma_start3A_324] : memref<200x4x128x8x128xf32, #tpu.memory_space<hbm>> -> memref<1x1x1x8x128xf32, #tpu.memory_space<hbm>>
        %dma_start3A_326 = tpu.memref_squeeze %dma_start3A_325 : memref<1x1x1x8x128xf32, #tpu.memory_space<hbm>> -> memref<8x128xf32, #tpu.memory_space<hbm>>
        %dma_start3A_327 = arith.constant 0 : i32
        %dma_start3A_328 = arith.constant 0 : i32
        %dma_start3A_329 = tpu.memref_slice %arg9[%scan3A_308, %dma_start3A_327, %dma_start3A_328] : memref<8x32x129xf32, #tpu.memory_space<vmem>> -> memref<1x8x128xf32, #tpu.memory_space<vmem>>
        %dma_start3A_330 = tpu.memref_squeeze %dma_start3A_329 : memref<1x8x128xf32, #tpu.memory_space<vmem>> -> memref<8x128xf32, #tpu.memory_space<vmem>>
        tpu.enqueue_dma source(%dma_start3A_330 : memref<8x128xf32, #tpu.memory_space<vmem>>) target(%dma_start3A_326 : memref<8x128xf32, #tpu.memory_space<hbm>>) target_semaphore(%arg11 : memref<!tpu.dma_semaphore, #tpu.memory_space<semaphore_mem>>)
        %dma_start3A_331 = arith.constant 1 : i32
        %dma_start3A_332 = arith.constant 8 : i32
        %dma_start3A_333 = arith.constant 0 : i32
        %dma_start3A_334 = tpu.memref_slice %arg9[%scan3A_308, %dma_start3A_332, %dma_start3A_333] : memref<8x32x129xf32, #tpu.memory_space<vmem>> -> memref<1x8x128xf32, #tpu.memory_space<vmem>>
        %dma_start3A_335 = tpu.memref_squeeze %dma_start3A_334 : memref<1x8x128xf32, #tpu.memory_space<vmem>> -> memref<8x128xf32, #tpu.memory_space<vmem>>
        %dma_start3A_336 = arith.constant 0 : i32
        %dma_start3A_337 = arith.constant 0 : i32
        %dma_start3A_338 = tpu.memref_slice %arg4[%add3A_313, %dma_start3A_331, %select_n3A_217, %dma_start3A_336, %dma_start3A_337] : memref<200x4x128x8x128xf32, #tpu.memory_space<hbm>> -> memref<1x1x1x8x128xf32, #tpu.memory_space<hbm>>
        %dma_start3A_339 = tpu.memref_squeeze %dma_start3A_338 : memref<1x1x1x8x128xf32, #tpu.memory_space<hbm>> -> memref<8x128xf32, #tpu.memory_space<hbm>>
        %dma_start3A_340 = arith.constant 0 : i32
        %dma_start3A_341 = arith.constant 0 : i32
        %dma_start3A_342 = tpu.memref_slice %arg4[%add3A_313, %dma_start3A_331, %select_n3A_217, %dma_start3A_340, %dma_start3A_341] : memref<200x4x128x8x128xf32, #tpu.memory_space<hbm>> -> memref<1x1x1x8x128xf32, #tpu.memory_space<hbm>>
        %dma_start3A_343 = tpu.memref_squeeze %dma_start3A_342 : memref<1x1x1x8x128xf32, #tpu.memory_space<hbm>> -> memref<8x128xf32, #tpu.memory_space<hbm>>
        %dma_start3A_344 = arith.constant 8 : i32
        %dma_start3A_345 = arith.constant 0 : i32
        %dma_start3A_346 = tpu.memref_slice %arg9[%scan3A_308, %dma_start3A_344, %dma_start3A_345] : memref<8x32x129xf32, #tpu.memory_space<vmem>> -> memref<1x8x128xf32, #tpu.memory_space<vmem>>
        %dma_start3A_347 = tpu.memref_squeeze %dma_start3A_346 : memref<1x8x128xf32, #tpu.memory_space<vmem>> -> memref<8x128xf32, #tpu.memory_space<vmem>>
        tpu.enqueue_dma source(%dma_start3A_347 : memref<8x128xf32, #tpu.memory_space<vmem>>) target(%dma_start3A_343 : memref<8x128xf32, #tpu.memory_space<hbm>>) target_semaphore(%arg11 : memref<!tpu.dma_semaphore, #tpu.memory_space<semaphore_mem>>)
        %dma_start3A_348 = arith.constant 2 : i32
        %dma_start3A_349 = arith.constant 16 : i32
        %dma_start3A_350 = arith.constant 0 : i32
        %dma_start3A_351 = tpu.memref_slice %arg9[%scan3A_308, %dma_start3A_349, %dma_start3A_350] : memref<8x32x129xf32, #tpu.memory_space<vmem>> -> memref<1x8x128xf32, #tpu.memory_space<vmem>>
        %dma_start3A_352 = tpu.memref_squeeze %dma_start3A_351 : memref<1x8x128xf32, #tpu.memory_space<vmem>> -> memref<8x128xf32, #tpu.memory_space<vmem>>
        %dma_start3A_353 = arith.constant 0 : i32
        %dma_start3A_354 = arith.constant 0 : i32
        %dma_start3A_355 = tpu.memref_slice %arg4[%add3A_313, %dma_start3A_348, %select_n3A_217, %dma_start3A_353, %dma_start3A_354] : memref<200x4x128x8x128xf32, #tpu.memory_space<hbm>> -> memref<1x1x1x8x128xf32, #tpu.memory_space<hbm>>
        %dma_start3A_356 = tpu.memref_squeeze %dma_start3A_355 : memref<1x1x1x8x128xf32, #tpu.memory_space<hbm>> -> memref<8x128xf32, #tpu.memory_space<hbm>>
        %dma_start3A_357 = arith.constant 0 : i32
        %dma_start3A_358 = arith.constant 0 : i32
        %dma_start3A_359 = tpu.memref_slice %arg4[%add3A_313, %dma_start3A_348, %select_n3A_217, %dma_start3A_357, %dma_start3A_358] : memref<200x4x128x8x128xf32, #tpu.memory_space<hbm>> -> memref<1x1x1x8x128xf32, #tpu.memory_space<hbm>>
        %dma_start3A_360 = tpu.memref_squeeze %dma_start3A_359 : memref<1x1x1x8x128xf32, #tpu.memory_space<hbm>> -> memref<8x128xf32, #tpu.memory_space<hbm>>
        %dma_start3A_361 = arith.constant 16 : i32
        %dma_start3A_362 = arith.constant 0 : i32
        %dma_start3A_363 = tpu.memref_slice %arg9[%scan3A_308, %dma_start3A_361, %dma_start3A_362] : memref<8x32x129xf32, #tpu.memory_space<vmem>> -> memref<1x8x128xf32, #tpu.memory_space<vmem>>
        %dma_start3A_364 = tpu.memref_squeeze %dma_start3A_363 : memref<1x8x128xf32, #tpu.memory_space<vmem>> -> memref<8x128xf32, #tpu.memory_space<vmem>>
        tpu.enqueue_dma source(%dma_start3A_364 : memref<8x128xf32, #tpu.memory_space<vmem>>) target(%dma_start3A_360 : memref<8x128xf32, #tpu.memory_space<hbm>>) target_semaphore(%arg11 : memref<!tpu.dma_semaphore, #tpu.memory_space<semaphore_mem>>)
        %dma_start3A_365 = arith.constant 3 : i32
        %dma_start3A_366 = arith.constant 24 : i32
        %dma_start3A_367 = arith.constant 0 : i32
        %dma_start3A_368 = tpu.memref_slice %arg9[%scan3A_308, %dma_start3A_366, %dma_start3A_367] : memref<8x32x129xf32, #tpu.memory_space<vmem>> -> memref<1x8x128xf32, #tpu.memory_space<vmem>>
        %dma_start3A_369 = tpu.memref_squeeze %dma_start3A_368 : memref<1x8x128xf32, #tpu.memory_space<vmem>> -> memref<8x128xf32, #tpu.memory_space<vmem>>
        %dma_start3A_370 = arith.constant 0 : i32
        %dma_start3A_371 = arith.constant 0 : i32
        %dma_start3A_372 = tpu.memref_slice %arg4[%add3A_313, %dma_start3A_365, %select_n3A_217, %dma_start3A_370, %dma_start3A_371] : memref<200x4x128x8x128xf32, #tpu.memory_space<hbm>> -> memref<1x1x1x8x128xf32, #tpu.memory_space<hbm>>
        %dma_start3A_373 = tpu.memref_squeeze %dma_start3A_372 : memref<1x1x1x8x128xf32, #tpu.memory_space<hbm>> -> memref<8x128xf32, #tpu.memory_space<hbm>>
        %dma_start3A_374 = arith.constant 0 : i32
        %dma_start3A_375 = arith.constant 0 : i32
        %dma_start3A_376 = tpu.memref_slice %arg4[%add3A_313, %dma_start3A_365, %select_n3A_217, %dma_start3A_374, %dma_start3A_375] : memref<200x4x128x8x128xf32, #tpu.memory_space<hbm>> -> memref<1x1x1x8x128xf32, #tpu.memory_space<hbm>>
        %dma_start3A_377 = tpu.memref_squeeze %dma_start3A_376 : memref<1x1x1x8x128xf32, #tpu.memory_space<hbm>> -> memref<8x128xf32, #tpu.memory_space<hbm>>
        %dma_start3A_378 = arith.constant 24 : i32
        %dma_start3A_379 = arith.constant 0 : i32
        %dma_start3A_380 = tpu.memref_slice %arg9[%scan3A_308, %dma_start3A_378, %dma_start3A_379] : memref<8x32x129xf32, #tpu.memory_space<vmem>> -> memref<1x8x128xf32, #tpu.memory_space<vmem>>
        %dma_start3A_381 = tpu.memref_squeeze %dma_start3A_380 : memref<1x8x128xf32, #tpu.memory_space<vmem>> -> memref<8x128xf32, #tpu.memory_space<vmem>>
        tpu.enqueue_dma source(%dma_start3A_381 : memref<8x128xf32, #tpu.memory_space<vmem>>) target(%dma_start3A_377 : memref<8x128xf32, #tpu.memory_space<hbm>>) target_semaphore(%arg11 : memref<!tpu.dma_semaphore, #tpu.memory_space<semaphore_mem>>)
      }
      %scan3A_233 = arith.constant 8 : i32
      %lt3A_234 = arith.constant 98 : i32
      %lt3A_235 = arith.cmpi slt, %add3A_176, %lt3A_234 : i32
      %convert_element_type3A_236 = arith.extui %lt3A_235 : i1 to i32
      %cond3A_237 = arith.constant 0 : i32
      %cond3A_238 = arith.cmpi ne, %convert_element_type3A_236, %cond3A_237 : i32
      scf.if %cond3A_238 {
        %add3A_308 = arith.constant 2 : i32
        %add3A_309 = arith.addi %add3A_177, %add3A_308 : i32
        %jit3A_310 = arith.constant 128 : i32
        %div3A_311 = arith.divsi %add3A_309, %jit3A_310 : i32
        %sign3A_312 = arith.constant 0 : i32
        %sign3A_313 = arith.cmpi sgt, %add3A_309, %sign3A_312 : i32
        %sign3A_314 = arith.extui %sign3A_313 : i1 to i32
        %sign3A_315 = arith.constant 0 : i32
        %sign3A_316 = arith.cmpi slt, %add3A_309, %sign3A_315 : i32
        %sign3A_317 = arith.extui %sign3A_316 : i1 to i32
        %sign3A_318 = arith.subi %sign3A_314, %sign3A_317 : i32
        %sign3A_319 = arith.constant 0 : i32
        %sign3A_320 = arith.cmpi sgt, %jit3A_310, %sign3A_319 : i32
        %sign3A_321 = arith.extui %sign3A_320 : i1 to i32
        %sign3A_322 = arith.constant 0 : i32
        %sign3A_323 = arith.cmpi slt, %jit3A_310, %sign3A_322 : i32
        %sign3A_324 = arith.extui %sign3A_323 : i1 to i32
        %sign3A_325 = arith.subi %sign3A_321, %sign3A_324 : i32
        %ne3A_326 = arith.cmpi ne, %sign3A_318, %sign3A_325 : i32
        %rem3A_327 = arith.remsi %add3A_309, %jit3A_310 : i32
        %ne3A_328 = arith.constant 0 : i32
        %ne3A_329 = arith.cmpi ne, %rem3A_327, %ne3A_328 : i32
        %and3A_330 = arith.andi %ne3A_326, %ne3A_329 : i1
        %sub3A_331 = arith.constant 1 : i32
        %sub3A_332 = arith.subi %div3A_311, %sub3A_331 : i32
        %select_n3A_333 = arith.select %and3A_330, %sub3A_332, %div3A_311 : i32
        %jit3A_334 = arith.constant 128 : i32
        %eq3A_335 = arith.constant 0 : i32
        %eq3A_336 = arith.cmpi eq, %jit3A_334, %eq3A_335 : i32
        %jit3A_337 = arith.constant 1 : i32
        %select_n3A_338 = arith.select %eq3A_336, %jit3A_337, %jit3A_334 : i32
        %rem3A_339 = arith.remsi %add3A_309, %select_n3A_338 : i32
        %ne3A_340 = arith.constant 0 : i32
        %ne3A_341 = arith.cmpi ne, %rem3A_339, %ne3A_340 : i32
        %lt3A_342 = arith.constant 0 : i32
        %lt3A_343 = arith.cmpi slt, %rem3A_339, %lt3A_342 : i32
        %lt3A_344 = arith.constant 0 : i32
        %lt3A_345 = arith.cmpi slt, %select_n3A_338, %lt3A_344 : i32
        %ne3A_346 = arith.xori %lt3A_343, %lt3A_345 : i1
        %and3A_347 = arith.andi %ne3A_346, %ne3A_341 : i1
        %add3A_348 = arith.addi %rem3A_339, %select_n3A_338 : i32
        %select_n3A_349 = arith.select %and3A_347, %add3A_348, %rem3A_339 : i32
        %dma_wait3A_350 = arith.constant 0 : i32
        %dma_wait3A_351 = tpu.memref_slice %arg2[%select_n3A_333, %select_n3A_349, %dma_wait3A_350] : memref<25x128x1024xi32, #tpu.memory_space<hbm>> -> memref<1x1x1024xi32, #tpu.memory_space<hbm>>
        %dma_wait3A_352 = tpu.memref_squeeze %dma_wait3A_351 : memref<1x1x1024xi32, #tpu.memory_space<hbm>> -> memref<1024xi32, #tpu.memory_space<hbm>>
        %dma_wait3A_353 = arith.constant 0 : i32
        %dma_wait3A_354 = tpu.memref_slice %arg2[%select_n3A_333, %select_n3A_349, %dma_wait3A_353] : memref<25x128x1024xi32, #tpu.memory_space<hbm>> -> memref<1x1x1024xi32, #tpu.memory_space<hbm>>
        %dma_wait3A_355 = tpu.memref_squeeze %dma_wait3A_354 : memref<1x1x1024xi32, #tpu.memory_space<hbm>> -> memref<1024xi32, #tpu.memory_space<hbm>>
        tpu.wait_dma2 semaphore(%arg12 : memref<!tpu.dma_semaphore, #tpu.memory_space<semaphore_mem>>) src(%dma_wait3A_355 : memref<1024xi32, #tpu.memory_space<hbm>>) dst(%arg5 : memref<1024xi32, #tpu.memory_space<vmem>>)
        %dma_start3A_356 = arith.constant 0 : i32
        %dma_start3A_357 = arith.constant 0 : i32
        %dma_start3A_358 = tpu.memref_slice %arg3[%dma_start3A_356, %dma_start3A_357] : memref<1000000x32xf32, #tpu.memory_space<hbm>> -> memref<1000000x32xf32, #tpu.memory_space<hbm>>
        tpu.enqueue_indirect_dma source(%dma_start3A_358 : memref<1000000x32xf32, #tpu.memory_space<hbm>>) target(%arg7 : memref<1024x32xf32, #tpu.memory_space<vmem>>) offsets(%arg5 : memref<1024xi32, #tpu.memory_space<vmem>>) semaphore(%arg10 : memref<!tpu.dma_semaphore, #tpu.memory_space<semaphore_mem>>)
      } else {
      }
      %mul3A_239 = arith.constant 2 : i32
      %mul3A_240 = arith.muli %scan3A_172, %mul3A_239 : i32
      %add3A_241 = arith.constant 1 : i32
      %add3A_242 = arith.addi %mul3A_240, %add3A_241 : i32
      %add3A_243 = arith.addi %mul3A_2, %add3A_242 : i32
      %jit3A_244 = arith.constant 128 : i32
      %div3A_245 = arith.divsi %add3A_243, %jit3A_244 : i32
      %sign3A_246 = arith.constant 0 : i32
      %sign3A_247 = arith.cmpi sgt, %add3A_243, %sign3A_246 : i32
      %sign3A_248 = arith.extui %sign3A_247 : i1 to i32
      %sign3A_249 = arith.constant 0 : i32
      %sign3A_250 = arith.cmpi slt, %add3A_243, %sign3A_249 : i32
      %sign3A_251 = arith.extui %sign3A_250 : i1 to i32
      %sign3A_252 = arith.subi %sign3A_248, %sign3A_251 : i32
      %sign3A_253 = arith.constant 0 : i32
      %sign3A_254 = arith.cmpi sgt, %jit3A_244, %sign3A_253 : i32
      %sign3A_255 = arith.extui %sign3A_254 : i1 to i32
      %sign3A_256 = arith.constant 0 : i32
      %sign3A_257 = arith.cmpi slt, %jit3A_244, %sign3A_256 : i32
      %sign3A_258 = arith.extui %sign3A_257 : i1 to i32
      %sign3A_259 = arith.subi %sign3A_255, %sign3A_258 : i32
      %ne3A_260 = arith.cmpi ne, %sign3A_252, %sign3A_259 : i32
      %rem3A_261 = arith.remsi %add3A_243, %jit3A_244 : i32
      %ne3A_262 = arith.constant 0 : i32
      %ne3A_263 = arith.cmpi ne, %rem3A_261, %ne3A_262 : i32
      %and3A_264 = arith.andi %ne3A_260, %ne3A_263 : i1
      %sub3A_265 = arith.constant 1 : i32
      %sub3A_266 = arith.subi %div3A_245, %sub3A_265 : i32
      %select_n3A_267 = arith.select %and3A_264, %sub3A_266, %div3A_245 : i32
      %jit3A_268 = arith.constant 128 : i32
      %eq3A_269 = arith.constant 0 : i32
      %eq3A_270 = arith.cmpi eq, %jit3A_268, %eq3A_269 : i32
      %jit3A_271 = arith.constant 1 : i32
      %select_n3A_272 = arith.select %eq3A_270, %jit3A_271, %jit3A_268 : i32
      %rem3A_273 = arith.remsi %add3A_243, %select_n3A_272 : i32
      %ne3A_274 = arith.constant 0 : i32
      %ne3A_275 = arith.cmpi ne, %rem3A_273, %ne3A_274 : i32
      %lt3A_276 = arith.constant 0 : i32
      %lt3A_277 = arith.cmpi slt, %rem3A_273, %lt3A_276 : i32
      %lt3A_278 = arith.constant 0 : i32
      %lt3A_279 = arith.cmpi slt, %select_n3A_272, %lt3A_278 : i32
      %ne3A_280 = arith.xori %lt3A_277, %lt3A_279 : i1
      %and3A_281 = arith.andi %ne3A_280, %ne3A_275 : i1
      %add3A_282 = arith.addi %rem3A_273, %select_n3A_272 : i32
      %select_n3A_283 = arith.select %and3A_281, %add3A_282, %rem3A_273 : i32
      %gt3A_284 = arith.constant 0 : i32
      %gt3A_285 = arith.cmpi sgt, %add3A_242, %gt3A_284 : i32
      %convert_element_type3A_286 = arith.extui %gt3A_285 : i1 to i32
      %cond3A_287 = arith.constant 0 : i32
      %cond3A_288 = arith.cmpi ne, %convert_element_type3A_286, %cond3A_287 : i32
      scf.if %cond3A_288 {
        %dma_wait3A_308 = arith.constant 0 : i32
        %dma_wait3A_309 = arith.constant 0 : i32
        %dma_wait3A_310 = arith.constant 0 : i32
        %dma_wait3A_311 = arith.constant 0 : i32
        %dma_wait3A_312 = arith.constant 0 : i32
        %dma_wait3A_313 = tpu.memref_slice %arg9[%dma_wait3A_310, %dma_wait3A_311, %dma_wait3A_312] : memref<8x32x129xf32, #tpu.memory_space<vmem>> -> memref<8x8x128xf32, #tpu.memory_space<vmem>>
        %dma_wait3A_314 = arith.constant 0 : i32
        %dma_wait3A_315 = arith.constant 0 : i32
        %dma_wait3A_316 = arith.constant 0 : i32
        %dma_wait3A_317 = tpu.memref_slice %arg4[%dma_wait3A_314, %dma_wait3A_308, %dma_wait3A_309, %dma_wait3A_315, %dma_wait3A_316] : memref<200x4x128x8x128xf32, #tpu.memory_space<hbm>> -> memref<8x1x1x8x128xf32, #tpu.memory_space<hbm>>
        %dma_wait3A_318 = tpu.memref_squeeze %dma_wait3A_317 : memref<8x1x1x8x128xf32, #tpu.memory_space<hbm>> -> memref<8x8x128xf32, #tpu.memory_space<hbm>>
        %dma_wait3A_319 = arith.constant 0 : i32
        %dma_wait3A_320 = arith.constant 0 : i32
        %dma_wait3A_321 = arith.constant 0 : i32
        %dma_wait3A_322 = tpu.memref_slice %arg4[%dma_wait3A_319, %dma_wait3A_308, %dma_wait3A_309, %dma_wait3A_320, %dma_wait3A_321] : memref<200x4x128x8x128xf32, #tpu.memory_space<hbm>> -> memref<8x1x1x8x128xf32, #tpu.memory_space<hbm>>
        %dma_wait3A_323 = tpu.memref_squeeze %dma_wait3A_322 : memref<8x1x1x8x128xf32, #tpu.memory_space<hbm>> -> memref<8x8x128xf32, #tpu.memory_space<hbm>>
        %dma_wait3A_324 = arith.constant 0 : i32
        %dma_wait3A_325 = arith.constant 0 : i32
        %dma_wait3A_326 = arith.constant 0 : i32
        %dma_wait3A_327 = tpu.memref_slice %arg9[%dma_wait3A_324, %dma_wait3A_325, %dma_wait3A_326] : memref<8x32x129xf32, #tpu.memory_space<vmem>> -> memref<8x8x128xf32, #tpu.memory_space<vmem>>
        tpu.wait_dma2 semaphore(%arg11 : memref<!tpu.dma_semaphore, #tpu.memory_space<semaphore_mem>>) src(%dma_wait3A_327 : memref<8x8x128xf32, #tpu.memory_space<vmem>>) dst(%dma_wait3A_323 : memref<8x8x128xf32, #tpu.memory_space<hbm>>)
        %dma_wait3A_328 = arith.constant 0 : i32
        %dma_wait3A_329 = arith.constant 0 : i32
        %dma_wait3A_330 = arith.constant 0 : i32
        %dma_wait3A_331 = arith.constant 0 : i32
        %dma_wait3A_332 = arith.constant 0 : i32
        %dma_wait3A_333 = tpu.memref_slice %arg9[%dma_wait3A_330, %dma_wait3A_331, %dma_wait3A_332] : memref<8x32x129xf32, #tpu.memory_space<vmem>> -> memref<8x8x128xf32, #tpu.memory_space<vmem>>
        %dma_wait3A_334 = arith.constant 0 : i32
        %dma_wait3A_335 = arith.constant 0 : i32
        %dma_wait3A_336 = arith.constant 0 : i32
        %dma_wait3A_337 = tpu.memref_slice %arg4[%dma_wait3A_334, %dma_wait3A_328, %dma_wait3A_329, %dma_wait3A_335, %dma_wait3A_336] : memref<200x4x128x8x128xf32, #tpu.memory_space<hbm>> -> memref<8x1x1x8x128xf32, #tpu.memory_space<hbm>>
        %dma_wait3A_338 = tpu.memref_squeeze %dma_wait3A_337 : memref<8x1x1x8x128xf32, #tpu.memory_space<hbm>> -> memref<8x8x128xf32, #tpu.memory_space<hbm>>
        %dma_wait3A_339 = arith.constant 0 : i32
        %dma_wait3A_340 = arith.constant 0 : i32
        %dma_wait3A_341 = arith.constant 0 : i32
        %dma_wait3A_342 = tpu.memref_slice %arg4[%dma_wait3A_339, %dma_wait3A_328, %dma_wait3A_329, %dma_wait3A_340, %dma_wait3A_341] : memref<200x4x128x8x128xf32, #tpu.memory_space<hbm>> -> memref<8x1x1x8x128xf32, #tpu.memory_space<hbm>>
        %dma_wait3A_343 = tpu.memref_squeeze %dma_wait3A_342 : memref<8x1x1x8x128xf32, #tpu.memory_space<hbm>> -> memref<8x8x128xf32, #tpu.memory_space<hbm>>
        %dma_wait3A_344 = arith.constant 0 : i32
        %dma_wait3A_345 = arith.constant 0 : i32
        %dma_wait3A_346 = arith.constant 0 : i32
        %dma_wait3A_347 = tpu.memref_slice %arg9[%dma_wait3A_344, %dma_wait3A_345, %dma_wait3A_346] : memref<8x32x129xf32, #tpu.memory_space<vmem>> -> memref<8x8x128xf32, #tpu.memory_space<vmem>>
        tpu.wait_dma2 semaphore(%arg11 : memref<!tpu.dma_semaphore, #tpu.memory_space<semaphore_mem>>) src(%dma_wait3A_347 : memref<8x8x128xf32, #tpu.memory_space<vmem>>) dst(%dma_wait3A_343 : memref<8x8x128xf32, #tpu.memory_space<hbm>>)
        %dma_wait3A_348 = arith.constant 0 : i32
        %dma_wait3A_349 = arith.constant 0 : i32
        %dma_wait3A_350 = arith.constant 0 : i32
        %dma_wait3A_351 = arith.constant 0 : i32
        %dma_wait3A_352 = arith.constant 0 : i32
        %dma_wait3A_353 = tpu.memref_slice %arg9[%dma_wait3A_350, %dma_wait3A_351, %dma_wait3A_352] : memref<8x32x129xf32, #tpu.memory_space<vmem>> -> memref<8x8x128xf32, #tpu.memory_space<vmem>>
        %dma_wait3A_354 = arith.constant 0 : i32
        %dma_wait3A_355 = arith.constant 0 : i32
        %dma_wait3A_356 = arith.constant 0 : i32
        %dma_wait3A_357 = tpu.memref_slice %arg4[%dma_wait3A_354, %dma_wait3A_348, %dma_wait3A_349, %dma_wait3A_355, %dma_wait3A_356] : memref<200x4x128x8x128xf32, #tpu.memory_space<hbm>> -> memref<8x1x1x8x128xf32, #tpu.memory_space<hbm>>
        %dma_wait3A_358 = tpu.memref_squeeze %dma_wait3A_357 : memref<8x1x1x8x128xf32, #tpu.memory_space<hbm>> -> memref<8x8x128xf32, #tpu.memory_space<hbm>>
        %dma_wait3A_359 = arith.constant 0 : i32
        %dma_wait3A_360 = arith.constant 0 : i32
        %dma_wait3A_361 = arith.constant 0 : i32
        %dma_wait3A_362 = tpu.memref_slice %arg4[%dma_wait3A_359, %dma_wait3A_348, %dma_wait3A_349, %dma_wait3A_360, %dma_wait3A_361] : memref<200x4x128x8x128xf32, #tpu.memory_space<hbm>> -> memref<8x1x1x8x128xf32, #tpu.memory_space<hbm>>
        %dma_wait3A_363 = tpu.memref_squeeze %dma_wait3A_362 : memref<8x1x1x8x128xf32, #tpu.memory_space<hbm>> -> memref<8x8x128xf32, #tpu.memory_space<hbm>>
        %dma_wait3A_364 = arith.constant 0 : i32
        %dma_wait3A_365 = arith.constant 0 : i32
        %dma_wait3A_366 = arith.constant 0 : i32
        %dma_wait3A_367 = tpu.memref_slice %arg9[%dma_wait3A_364, %dma_wait3A_365, %dma_wait3A_366] : memref<8x32x129xf32, #tpu.memory_space<vmem>> -> memref<8x8x128xf32, #tpu.memory_space<vmem>>
        tpu.wait_dma2 semaphore(%arg11 : memref<!tpu.dma_semaphore, #tpu.memory_space<semaphore_mem>>) src(%dma_wait3A_367 : memref<8x8x128xf32, #tpu.memory_space<vmem>>) dst(%dma_wait3A_363 : memref<8x8x128xf32, #tpu.memory_space<hbm>>)
        %dma_wait3A_368 = arith.constant 0 : i32
        %dma_wait3A_369 = arith.constant 0 : i32
        %dma_wait3A_370 = arith.constant 0 : i32
        %dma_wait3A_371 = arith.constant 0 : i32
        %dma_wait3A_372 = arith.constant 0 : i32
        %dma_wait3A_373 = tpu.memref_slice %arg9[%dma_wait3A_370, %dma_wait3A_371, %dma_wait3A_372] : memref<8x32x129xf32, #tpu.memory_space<vmem>> -> memref<8x8x128xf32, #tpu.memory_space<vmem>>
        %dma_wait3A_374 = arith.constant 0 : i32
        %dma_wait3A_375 = arith.constant 0 : i32
        %dma_wait3A_376 = arith.constant 0 : i32
        %dma_wait3A_377 = tpu.memref_slice %arg4[%dma_wait3A_374, %dma_wait3A_368, %dma_wait3A_369, %dma_wait3A_375, %dma_wait3A_376] : memref<200x4x128x8x128xf32, #tpu.memory_space<hbm>> -> memref<8x1x1x8x128xf32, #tpu.memory_space<hbm>>
        %dma_wait3A_378 = tpu.memref_squeeze %dma_wait3A_377 : memref<8x1x1x8x128xf32, #tpu.memory_space<hbm>> -> memref<8x8x128xf32, #tpu.memory_space<hbm>>
        %dma_wait3A_379 = arith.constant 0 : i32
        %dma_wait3A_380 = arith.constant 0 : i32
        %dma_wait3A_381 = arith.constant 0 : i32
        %dma_wait3A_382 = tpu.memref_slice %arg4[%dma_wait3A_379, %dma_wait3A_368, %dma_wait3A_369, %dma_wait3A_380, %dma_wait3A_381] : memref<200x4x128x8x128xf32, #tpu.memory_space<hbm>> -> memref<8x1x1x8x128xf32, #tpu.memory_space<hbm>>
        %dma_wait3A_383 = tpu.memref_squeeze %dma_wait3A_382 : memref<8x1x1x8x128xf32, #tpu.memory_space<hbm>> -> memref<8x8x128xf32, #tpu.memory_space<hbm>>
        %dma_wait3A_384 = arith.constant 0 : i32
        %dma_wait3A_385 = arith.constant 0 : i32
        %dma_wait3A_386 = arith.constant 0 : i32
        %dma_wait3A_387 = tpu.memref_slice %arg9[%dma_wait3A_384, %dma_wait3A_385, %dma_wait3A_386] : memref<8x32x129xf32, #tpu.memory_space<vmem>> -> memref<8x8x128xf32, #tpu.memory_space<vmem>>
        tpu.wait_dma2 semaphore(%arg11 : memref<!tpu.dma_semaphore, #tpu.memory_space<semaphore_mem>>) src(%dma_wait3A_387 : memref<8x8x128xf32, #tpu.memory_space<vmem>>) dst(%dma_wait3A_383 : memref<8x8x128xf32, #tpu.memory_space<hbm>>)
      } else {
      }
      %dma_wait3A_289 = arith.constant 0 : i32
      %dma_wait3A_290 = arith.constant 0 : i32
      %dma_wait3A_291 = tpu.memref_slice %arg3[%dma_wait3A_289, %dma_wait3A_290] : memref<1000000x32xf32, #tpu.memory_space<hbm>> -> memref<1000000x32xf32, #tpu.memory_space<hbm>>
      tpu.wait_indirect_dma semaphore(%arg10 : memref<!tpu.dma_semaphore, #tpu.memory_space<semaphore_mem>>) src(%dma_wait3A_291 : memref<1000000x32xf32, #tpu.memory_space<hbm>>) dst(%arg8 : memref<1024x32xf32, #tpu.memory_space<vmem>>)
      %lt3A_292 = arith.constant 98 : i32
      %lt3A_293 = arith.cmpi slt, %add3A_242, %lt3A_292 : i32
      %convert_element_type3A_294 = arith.extui %lt3A_293 : i1 to i32
      %cond3A_295 = arith.constant 0 : i32
      %cond3A_296 = arith.cmpi ne, %convert_element_type3A_294, %cond3A_295 : i32
      scf.if %cond3A_296 {
        %add3A_308 = arith.constant 2 : i32
        %add3A_309 = arith.addi %add3A_243, %add3A_308 : i32
        %jit3A_310 = arith.constant 128 : i32
        %div3A_311 = arith.divsi %add3A_309, %jit3A_310 : i32
        %sign3A_312 = arith.constant 0 : i32
        %sign3A_313 = arith.cmpi sgt, %add3A_309, %sign3A_312 : i32
        %sign3A_314 = arith.extui %sign3A_313 : i1 to i32
        %sign3A_315 = arith.constant 0 : i32
        %sign3A_316 = arith.cmpi slt, %add3A_309, %sign3A_315 : i32
        %sign3A_317 = arith.extui %sign3A_316 : i1 to i32
        %sign3A_318 = arith.subi %sign3A_314, %sign3A_317 : i32
        %sign3A_319 = arith.constant 0 : i32
        %sign3A_320 = arith.cmpi sgt, %jit3A_310, %sign3A_319 : i32
        %sign3A_321 = arith.extui %sign3A_320 : i1 to i32
        %sign3A_322 = arith.constant 0 : i32
        %sign3A_323 = arith.cmpi slt, %jit3A_310, %sign3A_322 : i32
        %sign3A_324 = arith.extui %sign3A_323 : i1 to i32
        %sign3A_325 = arith.subi %sign3A_321, %sign3A_324 : i32
        %ne3A_326 = arith.cmpi ne, %sign3A_318, %sign3A_325 : i32
        %rem3A_327 = arith.remsi %add3A_309, %jit3A_310 : i32
        %ne3A_328 = arith.constant 0 : i32
        %ne3A_329 = arith.cmpi ne, %rem3A_327, %ne3A_328 : i32
        %and3A_330 = arith.andi %ne3A_326, %ne3A_329 : i1
        %sub3A_331 = arith.constant 1 : i32
        %sub3A_332 = arith.subi %div3A_311, %sub3A_331 : i32
        %select_n3A_333 = arith.select %and3A_330, %sub3A_332, %div3A_311 : i32
        %jit3A_334 = arith.constant 128 : i32
        %eq3A_335 = arith.constant 0 : i32
        %eq3A_336 = arith.cmpi eq, %jit3A_334, %eq3A_335 : i32
        %jit3A_337 = arith.constant 1 : i32
        %select_n3A_338 = arith.select %eq3A_336, %jit3A_337, %jit3A_334 : i32
        %rem3A_339 = arith.remsi %add3A_309, %select_n3A_338 : i32
        %ne3A_340 = arith.constant 0 : i32
        %ne3A_341 = arith.cmpi ne, %rem3A_339, %ne3A_340 : i32
        %lt3A_342 = arith.constant 0 : i32
        %lt3A_343 = arith.cmpi slt, %rem3A_339, %lt3A_342 : i32
        %lt3A_344 = arith.constant 0 : i32
        %lt3A_345 = arith.cmpi slt, %select_n3A_338, %lt3A_344 : i32
        %ne3A_346 = arith.xori %lt3A_343, %lt3A_345 : i1
        %and3A_347 = arith.andi %ne3A_346, %ne3A_341 : i1
        %add3A_348 = arith.addi %rem3A_339, %select_n3A_338 : i32
        %select_n3A_349 = arith.select %and3A_347, %add3A_348, %rem3A_339 : i32
        %dma_start3A_350 = arith.constant 0 : i32
        %dma_start3A_351 = tpu.memref_slice %arg2[%select_n3A_333, %select_n3A_349, %dma_start3A_350] : memref<25x128x1024xi32, #tpu.memory_space<hbm>> -> memref<1x1x1024xi32, #tpu.memory_space<hbm>>
        %dma_start3A_352 = tpu.memref_squeeze %dma_start3A_351 : memref<1x1x1024xi32, #tpu.memory_space<hbm>> -> memref<1024xi32, #tpu.memory_space<hbm>>
        %dma_start3A_353 = arith.constant 0 : i32
        %dma_start3A_354 = tpu.memref_slice %arg2[%select_n3A_333, %select_n3A_349, %dma_start3A_353] : memref<25x128x1024xi32, #tpu.memory_space<hbm>> -> memref<1x1x1024xi32, #tpu.memory_space<hbm>>
        %dma_start3A_355 = tpu.memref_squeeze %dma_start3A_354 : memref<1x1x1024xi32, #tpu.memory_space<hbm>> -> memref<1024xi32, #tpu.memory_space<hbm>>
        tpu.enqueue_dma source(%dma_start3A_355 : memref<1024xi32, #tpu.memory_space<hbm>>) target(%arg6 : memref<1024xi32, #tpu.memory_space<vmem>>) target_semaphore(%arg12 : memref<!tpu.dma_semaphore, #tpu.memory_space<semaphore_mem>>)
      } else {
      }
      %scan3A_297 = arith.constant 0 : i32
      %scan3A_298 = arith.constant 0 : i32
      %scan3A_299 = arith.constant 8 : i32
      %scan3A_300 = arith.addi %scan3A_298, %scan3A_299 : i32
      %scan3A_301 = arith.constant 1 : i32
      scf.for %scan3A_308 = %scan3A_298 to %scan3A_300 step %scan3A_301  : i32 {
        %parallel_loop3A = arith.constant 0 : i32
        %parallel_loop3A_309 = arith.constant 128 : i32
        %parallel_loop3A_310 = arith.constant 1 : i32
        scf.for %parallel_loop3A_382 = %parallel_loop3A to %parallel_loop3A_309 step %parallel_loop3A_310  : i32 {
          %parallel_loop3A_383 = arith.constant 128 : i32
          %parallel_loop3A_384 = arith.muli %scan3A_308, %parallel_loop3A_383 : i32
          %parallel_loop3A_385 = arith.addi %parallel_loop3A_384, %parallel_loop3A_382 : i32
          %parallel_loop3A_386 = vector.broadcast %parallel_loop3A_382 : i32 to vector<16xi32>
          %parallel_loop3A_387 = arith.index_cast %parallel_loop3A_385 : i32 to index
          %parallel_loop3A_388 = arith.constant 0 : index
          %parallel_loop3A_389 = tpu.vector_load %arg8[%parallel_loop3A_387, %parallel_loop3A_388] {strides = array<i32>} : memref<1024x32xf32, #tpu.memory_space<vmem>>, vector<16xf32>,
          %parallel_loop3A_390 = arith.constant 0 : i32
          %parallel_loop3A_391 = arith.constant 0 : i32
          %parallel_loop3A_392 = tpu.memref_slice %arg9[%scan3A_308, %parallel_loop3A_390, %parallel_loop3A_391] : memref<8x32x129xf32, #tpu.memory_space<vmem>> -> memref<1x32x129xf32, #tpu.memory_space<vmem>>
          %parallel_loop3A_393 = tpu.memref_squeeze %parallel_loop3A_392 : memref<1x32x129xf32, #tpu.memory_space<vmem>> -> memref<32x129xf32, #tpu.memory_space<vmem>>
          tpu.vector_store_idx %parallel_loop3A_393[%add3A_5, %parallel_loop3A_386], %parallel_loop3A_389 : memref<32x129xf32, #tpu.memory_space<vmem>>[vector<16xi32>, vector<16xi32>], vector<16xf32>,
          %parallel_loop3A_394 = arith.index_cast %parallel_loop3A_385 : i32 to index
          %parallel_loop3A_395 = arith.constant 16 : index
          %parallel_loop3A_396 = tpu.vector_load %arg8[%parallel_loop3A_394, %parallel_loop3A_395] {strides = array<i32>} : memref<1024x32xf32, #tpu.memory_space<vmem>>, vector<16xf32>,
          %parallel_loop3A_397 = arith.constant 0 : i32
          %parallel_loop3A_398 = arith.constant 0 : i32
          %parallel_loop3A_399 = tpu.memref_slice %arg9[%scan3A_308, %parallel_loop3A_397, %parallel_loop3A_398] : memref<8x32x129xf32, #tpu.memory_space<vmem>> -> memref<1x32x129xf32, #tpu.memory_space<vmem>>
          %parallel_loop3A_400 = tpu.memref_squeeze %parallel_loop3A_399 : memref<1x32x129xf32, #tpu.memory_space<vmem>> -> memref<32x129xf32, #tpu.memory_space<vmem>>
          tpu.vector_store_idx %parallel_loop3A_400[%add3A_8, %parallel_loop3A_386], %parallel_loop3A_396 : memref<32x129xf32, #tpu.memory_space<vmem>>[vector<16xi32>, vector<16xi32>], vector<16xf32>,
        } {sc.loop_unroll_factor = 4 : i64, sc.parallel_access}
        %mul3A_311 = arith.constant 8 : i32
        %mul3A_312 = arith.muli %select_n3A_267, %mul3A_311 : i32
        %add3A_313 = arith.addi %mul3A_312, %scan3A_308 : i32
        %dma_start3A_314 = arith.constant 0 : i32
        %dma_start3A_315 = arith.constant 0 : i32
        %dma_start3A_316 = arith.constant 0 : i32
        %dma_start3A_317 = tpu.memref_slice %arg9[%scan3A_308, %dma_start3A_315, %dma_start3A_316] : memref<8x32x129xf32, #tpu.memory_space<vmem>> -> memref<1x8x128xf32, #tpu.memory_space<vmem>>
        %dma_start3A_318 = tpu.memref_squeeze %dma_start3A_317 : memref<1x8x128xf32, #tpu.memory_space<vmem>> -> memref<8x128xf32, #tpu.memory_space<vmem>>
        %dma_start3A_319 = arith.constant 0 : i32
        %dma_start3A_320 = arith.constant 0 : i32
        %dma_start3A_321 = tpu.memref_slice %arg4[%add3A_313, %dma_start3A_314, %select_n3A_283, %dma_start3A_319, %dma_start3A_320] : memref<200x4x128x8x128xf32, #tpu.memory_space<hbm>> -> memref<1x1x1x8x128xf32, #tpu.memory_space<hbm>>
        %dma_start3A_322 = tpu.memref_squeeze %dma_start3A_321 : memref<1x1x1x8x128xf32, #tpu.memory_space<hbm>> -> memref<8x128xf32, #tpu.memory_space<hbm>>
        %dma_start3A_323 = arith.constant 0 : i32
        %dma_start3A_324 = arith.constant 0 : i32
        %dma_start3A_325 = tpu.memref_slice %arg4[%add3A_313, %dma_start3A_314, %select_n3A_283, %dma_start3A_323, %dma_start3A_324] : memref<200x4x128x8x128xf32, #tpu.memory_space<hbm>> -> memref<1x1x1x8x128xf32, #tpu.memory_space<hbm>>
        %dma_start3A_326 = tpu.memref_squeeze %dma_start3A_325 : memref<1x1x1x8x128xf32, #tpu.memory_space<hbm>> -> memref<8x128xf32, #tpu.memory_space<hbm>>
        %dma_start3A_327 = arith.constant 0 : i32
        %dma_start3A_328 = arith.constant 0 : i32
        %dma_start3A_329 = tpu.memref_slice %arg9[%scan3A_308, %dma_start3A_327, %dma_start3A_328] : memref<8x32x129xf32, #tpu.memory_space<vmem>> -> memref<1x8x128xf32, #tpu.memory_space<vmem>>
        %dma_start3A_330 = tpu.memref_squeeze %dma_start3A_329 : memref<1x8x128xf32, #tpu.memory_space<vmem>> -> memref<8x128xf32, #tpu.memory_space<vmem>>
        tpu.enqueue_dma source(%dma_start3A_330 : memref<8x128xf32, #tpu.memory_space<vmem>>) target(%dma_start3A_326 : memref<8x128xf32, #tpu.memory_space<hbm>>) target_semaphore(%arg11 : memref<!tpu.dma_semaphore, #tpu.memory_space<semaphore_mem>>)
        %dma_start3A_331 = arith.constant 1 : i32
        %dma_start3A_332 = arith.constant 8 : i32
        %dma_start3A_333 = arith.constant 0 : i32
        %dma_start3A_334 = tpu.memref_slice %arg9[%scan3A_308, %dma_start3A_332, %dma_start3A_333] : memref<8x32x129xf32, #tpu.memory_space<vmem>> -> memref<1x8x128xf32, #tpu.memory_space<vmem>>
        %dma_start3A_335 = tpu.memref_squeeze %dma_start3A_334 : memref<1x8x128xf32, #tpu.memory_space<vmem>> -> memref<8x128xf32, #tpu.memory_space<vmem>>
        %dma_start3A_336 = arith.constant 0 : i32
        %dma_start3A_337 = arith.constant 0 : i32
        %dma_start3A_338 = tpu.memref_slice %arg4[%add3A_313, %dma_start3A_331, %select_n3A_283, %dma_start3A_336, %dma_start3A_337] : memref<200x4x128x8x128xf32, #tpu.memory_space<hbm>> -> memref<1x1x1x8x128xf32, #tpu.memory_space<hbm>>
        %dma_start3A_339 = tpu.memref_squeeze %dma_start3A_338 : memref<1x1x1x8x128xf32, #tpu.memory_space<hbm>> -> memref<8x128xf32, #tpu.memory_space<hbm>>
        %dma_start3A_340 = arith.constant 0 : i32
        %dma_start3A_341 = arith.constant 0 : i32
        %dma_start3A_342 = tpu.memref_slice %arg4[%add3A_313, %dma_start3A_331, %select_n3A_283, %dma_start3A_340, %dma_start3A_341] : memref<200x4x128x8x128xf32, #tpu.memory_space<hbm>> -> memref<1x1x1x8x128xf32, #tpu.memory_space<hbm>>
        %dma_start3A_343 = tpu.memref_squeeze %dma_start3A_342 : memref<1x1x1x8x128xf32, #tpu.memory_space<hbm>> -> memref<8x128xf32, #tpu.memory_space<hbm>>
        %dma_start3A_344 = arith.constant 8 : i32
        %dma_start3A_345 = arith.constant 0 : i32
        %dma_start3A_346 = tpu.memref_slice %arg9[%scan3A_308, %dma_start3A_344, %dma_start3A_345] : memref<8x32x129xf32, #tpu.memory_space<vmem>> -> memref<1x8x128xf32, #tpu.memory_space<vmem>>
        %dma_start3A_347 = tpu.memref_squeeze %dma_start3A_346 : memref<1x8x128xf32, #tpu.memory_space<vmem>> -> memref<8x128xf32, #tpu.memory_space<vmem>>
        tpu.enqueue_dma source(%dma_start3A_347 : memref<8x128xf32, #tpu.memory_space<vmem>>) target(%dma_start3A_343 : memref<8x128xf32, #tpu.memory_space<hbm>>) target_semaphore(%arg11 : memref<!tpu.dma_semaphore, #tpu.memory_space<semaphore_mem>>)
        %dma_start3A_348 = arith.constant 2 : i32
        %dma_start3A_349 = arith.constant 16 : i32
        %dma_start3A_350 = arith.constant 0 : i32
        %dma_start3A_351 = tpu.memref_slice %arg9[%scan3A_308, %dma_start3A_349, %dma_start3A_350] : memref<8x32x129xf32, #tpu.memory_space<vmem>> -> memref<1x8x128xf32, #tpu.memory_space<vmem>>
        %dma_start3A_352 = tpu.memref_squeeze %dma_start3A_351 : memref<1x8x128xf32, #tpu.memory_space<vmem>> -> memref<8x128xf32, #tpu.memory_space<vmem>>
        %dma_start3A_353 = arith.constant 0 : i32
        %dma_start3A_354 = arith.constant 0 : i32
        %dma_start3A_355 = tpu.memref_slice %arg4[%add3A_313, %dma_start3A_348, %select_n3A_283, %dma_start3A_353, %dma_start3A_354] : memref<200x4x128x8x128xf32, #tpu.memory_space<hbm>> -> memref<1x1x1x8x128xf32, #tpu.memory_space<hbm>>
        %dma_start3A_356 = tpu.memref_squeeze %dma_start3A_355 : memref<1x1x1x8x128xf32, #tpu.memory_space<hbm>> -> memref<8x128xf32, #tpu.memory_space<hbm>>
        %dma_start3A_357 = arith.constant 0 : i32
        %dma_start3A_358 = arith.constant 0 : i32
        %dma_start3A_359 = tpu.memref_slice %arg4[%add3A_313, %dma_start3A_348, %select_n3A_283, %dma_start3A_357, %dma_start3A_358] : memref<200x4x128x8x128xf32, #tpu.memory_space<hbm>> -> memref<1x1x1x8x128xf32, #tpu.memory_space<hbm>>
        %dma_start3A_360 = tpu.memref_squeeze %dma_start3A_359 : memref<1x1x1x8x128xf32, #tpu.memory_space<hbm>> -> memref<8x128xf32, #tpu.memory_space<hbm>>
        %dma_start3A_361 = arith.constant 16 : i32
        %dma_start3A_362 = arith.constant 0 : i32
        %dma_start3A_363 = tpu.memref_slice %arg9[%scan3A_308, %dma_start3A_361, %dma_start3A_362] : memref<8x32x129xf32, #tpu.memory_space<vmem>> -> memref<1x8x128xf32, #tpu.memory_space<vmem>>
        %dma_start3A_364 = tpu.memref_squeeze %dma_start3A_363 : memref<1x8x128xf32, #tpu.memory_space<vmem>> -> memref<8x128xf32, #tpu.memory_space<vmem>>
        tpu.enqueue_dma source(%dma_start3A_364 : memref<8x128xf32, #tpu.memory_space<vmem>>) target(%dma_start3A_360 : memref<8x128xf32, #tpu.memory_space<hbm>>) target_semaphore(%arg11 : memref<!tpu.dma_semaphore, #tpu.memory_space<semaphore_mem>>)
        %dma_start3A_365 = arith.constant 3 : i32
        %dma_start3A_366 = arith.constant 24 : i32
        %dma_start3A_367 = arith.constant 0 : i32
        %dma_start3A_368 = tpu.memref_slice %arg9[%scan3A_308, %dma_start3A_366, %dma_start3A_367] : memref<8x32x129xf32, #tpu.memory_space<vmem>> -> memref<1x8x128xf32, #tpu.memory_space<vmem>>
        %dma_start3A_369 = tpu.memref_squeeze %dma_start3A_368 : memref<1x8x128xf32, #tpu.memory_space<vmem>> -> memref<8x128xf32, #tpu.memory_space<vmem>>
        %dma_start3A_370 = arith.constant 0 : i32
        %dma_start3A_371 = arith.constant 0 : i32
        %dma_start3A_372 = tpu.memref_slice %arg4[%add3A_313, %dma_start3A_365, %select_n3A_283, %dma_start3A_370, %dma_start3A_371] : memref<200x4x128x8x128xf32, #tpu.memory_space<hbm>> -> memref<1x1x1x8x128xf32, #tpu.memory_space<hbm>>
        %dma_start3A_373 = tpu.memref_squeeze %dma_start3A_372 : memref<1x1x1x8x128xf32, #tpu.memory_space<hbm>> -> memref<8x128xf32, #tpu.memory_space<hbm>>
        %dma_start3A_374 = arith.constant 0 : i32
        %dma_start3A_375 = arith.constant 0 : i32
        %dma_start3A_376 = tpu.memref_slice %arg4[%add3A_313, %dma_start3A_365, %select_n3A_283, %dma_start3A_374, %dma_start3A_375] : memref<200x4x128x8x128xf32, #tpu.memory_space<hbm>> -> memref<1x1x1x8x128xf32, #tpu.memory_space<hbm>>
        %dma_start3A_377 = tpu.memref_squeeze %dma_start3A_376 : memref<1x1x1x8x128xf32, #tpu.memory_space<hbm>> -> memref<8x128xf32, #tpu.memory_space<hbm>>
        %dma_start3A_378 = arith.constant 24 : i32
        %dma_start3A_379 = arith.constant 0 : i32
        %dma_start3A_380 = tpu.memref_slice %arg9[%scan3A_308, %dma_start3A_378, %dma_start3A_379] : memref<8x32x129xf32, #tpu.memory_space<vmem>> -> memref<1x8x128xf32, #tpu.memory_space<vmem>>
        %dma_start3A_381 = tpu.memref_squeeze %dma_start3A_380 : memref<1x8x128xf32, #tpu.memory_space<vmem>> -> memref<8x128xf32, #tpu.memory_space<vmem>>
        tpu.enqueue_dma source(%dma_start3A_381 : memref<8x128xf32, #tpu.memory_space<vmem>>) target(%dma_start3A_377 : memref<8x128xf32, #tpu.memory_space<hbm>>) target_semaphore(%arg11 : memref<!tpu.dma_semaphore, #tpu.memory_space<semaphore_mem>>)
      }
      %scan3A_302 = arith.constant 8 : i32
      %lt3A_303 = arith.constant 98 : i32
      %lt3A_304 = arith.cmpi slt, %add3A_242, %lt3A_303 : i32
      %convert_element_type3A_305 = arith.extui %lt3A_304 : i1 to i32
      %cond3A_306 = arith.constant 0 : i32
      %cond3A_307 = arith.cmpi ne, %convert_element_type3A_305, %cond3A_306 : i32
      scf.if %cond3A_307 {
        %add3A_308 = arith.constant 2 : i32
        %add3A_309 = arith.addi %add3A_243, %add3A_308 : i32
        %jit3A_310 = arith.constant 128 : i32
        %div3A_311 = arith.divsi %add3A_309, %jit3A_310 : i32
        %sign3A_312 = arith.constant 0 : i32
        %sign3A_313 = arith.cmpi sgt, %add3A_309, %sign3A_312 : i32
        %sign3A_314 = arith.extui %sign3A_313 : i1 to i32
        %sign3A_315 = arith.constant 0 : i32
        %sign3A_316 = arith.cmpi slt, %add3A_309, %sign3A_315 : i32
        %sign3A_317 = arith.extui %sign3A_316 : i1 to i32
        %sign3A_318 = arith.subi %sign3A_314, %sign3A_317 : i32
        %sign3A_319 = arith.constant 0 : i32
        %sign3A_320 = arith.cmpi sgt, %jit3A_310, %sign3A_319 : i32
        %sign3A_321 = arith.extui %sign3A_320 : i1 to i32
        %sign3A_322 = arith.constant 0 : i32
        %sign3A_323 = arith.cmpi slt, %jit3A_310, %sign3A_322 : i32
        %sign3A_324 = arith.extui %sign3A_323 : i1 to i32
        %sign3A_325 = arith.subi %sign3A_321, %sign3A_324 : i32
        %ne3A_326 = arith.cmpi ne, %sign3A_318, %sign3A_325 : i32
        %rem3A_327 = arith.remsi %add3A_309, %jit3A_310 : i32
        %ne3A_328 = arith.constant 0 : i32
        %ne3A_329 = arith.cmpi ne, %rem3A_327, %ne3A_328 : i32
        %and3A_330 = arith.andi %ne3A_326, %ne3A_329 : i1
        %sub3A_331 = arith.constant 1 : i32
        %sub3A_332 = arith.subi %div3A_311, %sub3A_331 : i32
        %select_n3A_333 = arith.select %and3A_330, %sub3A_332, %div3A_311 : i32
        %jit3A_334 = arith.constant 128 : i32
        %eq3A_335 = arith.constant 0 : i32
        %eq3A_336 = arith.cmpi eq, %jit3A_334, %eq3A_335 : i32
        %jit3A_337 = arith.constant 1 : i32
        %select_n3A_338 = arith.select %eq3A_336, %jit3A_337, %jit3A_334 : i32
        %rem3A_339 = arith.remsi %add3A_309, %select_n3A_338 : i32
        %ne3A_340 = arith.constant 0 : i32
        %ne3A_341 = arith.cmpi ne, %rem3A_339, %ne3A_340 : i32
        %lt3A_342 = arith.constant 0 : i32
        %lt3A_343 = arith.cmpi slt, %rem3A_339, %lt3A_342 : i32
        %lt3A_344 = arith.constant 0 : i32
        %lt3A_345 = arith.cmpi slt, %select_n3A_338, %lt3A_344 : i32
        %ne3A_346 = arith.xori %lt3A_343, %lt3A_345 : i1
        %and3A_347 = arith.andi %ne3A_346, %ne3A_341 : i1
        %add3A_348 = arith.addi %rem3A_339, %select_n3A_338 : i32
        %select_n3A_349 = arith.select %and3A_347, %add3A_348, %rem3A_339 : i32
        %dma_wait3A_350 = arith.constant 0 : i32
        %dma_wait3A_351 = tpu.memref_slice %arg2[%select_n3A_333, %select_n3A_349, %dma_wait3A_350] : memref<25x128x1024xi32, #tpu.memory_space<hbm>> -> memref<1x1x1024xi32, #tpu.memory_space<hbm>>
        %dma_wait3A_352 = tpu.memref_squeeze %dma_wait3A_351 : memref<1x1x1024xi32, #tpu.memory_space<hbm>> -> memref<1024xi32, #tpu.memory_space<hbm>>
        %dma_wait3A_353 = arith.constant 0 : i32
        %dma_wait3A_354 = tpu.memref_slice %arg2[%select_n3A_333, %select_n3A_349, %dma_wait3A_353] : memref<25x128x1024xi32, #tpu.memory_space<hbm>> -> memref<1x1x1024xi32, #tpu.memory_space<hbm>>
        %dma_wait3A_355 = tpu.memref_squeeze %dma_wait3A_354 : memref<1x1x1024xi32, #tpu.memory_space<hbm>> -> memref<1024xi32, #tpu.memory_space<hbm>>
        tpu.wait_dma2 semaphore(%arg12 : memref<!tpu.dma_semaphore, #tpu.memory_space<semaphore_mem>>) src(%dma_wait3A_355 : memref<1024xi32, #tpu.memory_space<hbm>>) dst(%arg6 : memref<1024xi32, #tpu.memory_space<vmem>>)
        %dma_start3A_356 = arith.constant 0 : i32
        %dma_start3A_357 = arith.constant 0 : i32
        %dma_start3A_358 = tpu.memref_slice %arg3[%dma_start3A_356, %dma_start3A_357] : memref<1000000x32xf32, #tpu.memory_space<hbm>> -> memref<1000000x32xf32, #tpu.memory_space<hbm>>
        tpu.enqueue_indirect_dma source(%dma_start3A_358 : memref<1000000x32xf32, #tpu.memory_space<hbm>>) target(%arg8 : memref<1024x32xf32, #tpu.memory_space<vmem>>) offsets(%arg6 : memref<1024xi32, #tpu.memory_space<vmem>>) semaphore(%arg10 : memref<!tpu.dma_semaphore, #tpu.memory_space<semaphore_mem>>)
      } else {
      }
    }
    %scan3A_92 = arith.constant 50 : i32
    %dma_wait3A = arith.constant 0 : i32
    %dma_wait3A_93 = arith.constant 0 : i32
    %dma_wait3A_94 = arith.constant 0 : i32
    %dma_wait3A_95 = arith.constant 0 : i32
    %dma_wait3A_96 = arith.constant 0 : i32
    %dma_wait3A_97 = tpu.memref_slice %arg9[%dma_wait3A_94, %dma_wait3A_95, %dma_wait3A_96] : memref<8x32x129xf32, #tpu.memory_space<vmem>> -> memref<8x8x128xf32, #tpu.memory_space<vmem>>
    %dma_wait3A_98 = arith.constant 0 : i32
    %dma_wait3A_99 = arith.constant 0 : i32
    %dma_wait3A_100 = arith.constant 0 : i32
    %dma_wait3A_101 = tpu.memref_slice %arg4[%dma_wait3A_98, %dma_wait3A, %dma_wait3A_93, %dma_wait3A_99, %dma_wait3A_100] : memref<200x4x128x8x128xf32, #tpu.memory_space<hbm>> -> memref<8x1x1x8x128xf32, #tpu.memory_space<hbm>>
    %dma_wait3A_102 = tpu.memref_squeeze %dma_wait3A_101 : memref<8x1x1x8x128xf32, #tpu.memory_space<hbm>> -> memref<8x8x128xf32, #tpu.memory_space<hbm>>
    %dma_wait3A_103 = arith.constant 0 : i32
    %dma_wait3A_104 = arith.constant 0 : i32
    %dma_wait3A_105 = arith.constant 0 : i32
    %dma_wait3A_106 = tpu.memref_slice %arg4[%dma_wait3A_103, %dma_wait3A, %dma_wait3A_93, %dma_wait3A_104, %dma_wait3A_105] : memref<200x4x128x8x128xf32, #tpu.memory_space<hbm>> -> memref<8x1x1x8x128xf32, #tpu.memory_space<hbm>>
    %dma_wait3A_107 = tpu.memref_squeeze %dma_wait3A_106 : memref<8x1x1x8x128xf32, #tpu.memory_space<hbm>> -> memref<8x8x128xf32, #tpu.memory_space<hbm>>
    %dma_wait3A_108 = arith.constant 0 : i32
    %dma_wait3A_109 = arith.constant 0 : i32
    %dma_wait3A_110 = arith.constant 0 : i32
    %dma_wait3A_111 = tpu.memref_slice %arg9[%dma_wait3A_108, %dma_wait3A_109, %dma_wait3A_110] : memref<8x32x129xf32, #tpu.memory_space<vmem>> -> memref<8x8x128xf32, #tpu.memory_space<vmem>>
    tpu.wait_dma2 semaphore(%arg11 : memref<!tpu.dma_semaphore, #tpu.memory_space<semaphore_mem>>) src(%dma_wait3A_111 : memref<8x8x128xf32, #tpu.memory_space<vmem>>) dst(%dma_wait3A_107 : memref<8x8x128xf32, #tpu.memory_space<hbm>>)
    %dma_wait3A_112 = arith.constant 0 : i32
    %dma_wait3A_113 = arith.constant 0 : i32
    %dma_wait3A_114 = arith.constant 0 : i32
    %dma_wait3A_115 = arith.constant 0 : i32
    %dma_wait3A_116 = arith.constant 0 : i32
    %dma_wait3A_117 = tpu.memref_slice %arg9[%dma_wait3A_114, %dma_wait3A_115, %dma_wait3A_116] : memref<8x32x129xf32, #tpu.memory_space<vmem>> -> memref<8x8x128xf32, #tpu.memory_space<vmem>>
    %dma_wait3A_118 = arith.constant 0 : i32
    %dma_wait3A_119 = arith.constant 0 : i32
    %dma_wait3A_120 = arith.constant 0 : i32
    %dma_wait3A_121 = tpu.memref_slice %arg4[%dma_wait3A_118, %dma_wait3A_112, %dma_wait3A_113, %dma_wait3A_119, %dma_wait3A_120] : memref<200x4x128x8x128xf32, #tpu.memory_space<hbm>> -> memref<8x1x1x8x128xf32, #tpu.memory_space<hbm>>
    %dma_wait3A_122 = tpu.memref_squeeze %dma_wait3A_121 : memref<8x1x1x8x128xf32, #tpu.memory_space<hbm>> -> memref<8x8x128xf32, #tpu.memory_space<hbm>>
    %dma_wait3A_123 = arith.constant 0 : i32
    %dma_wait3A_124 = arith.constant 0 : i32
    %dma_wait3A_125 = arith.constant 0 : i32
    %dma_wait3A_126 = tpu.memref_slice %arg4[%dma_wait3A_123, %dma_wait3A_112, %dma_wait3A_113, %dma_wait3A_124, %dma_wait3A_125] : memref<200x4x128x8x128xf32, #tpu.memory_space<hbm>> -> memref<8x1x1x8x128xf32, #tpu.memory_space<hbm>>
    %dma_wait3A_127 = tpu.memref_squeeze %dma_wait3A_126 : memref<8x1x1x8x128xf32, #tpu.memory_space<hbm>> -> memref<8x8x128xf32, #tpu.memory_space<hbm>>
    %dma_wait3A_128 = arith.constant 0 : i32
    %dma_wait3A_129 = arith.constant 0 : i32
    %dma_wait3A_130 = arith.constant 0 : i32
    %dma_wait3A_131 = tpu.memref_slice %arg9[%dma_wait3A_128, %dma_wait3A_129, %dma_wait3A_130] : memref<8x32x129xf32, #tpu.memory_space<vmem>> -> memref<8x8x128xf32, #tpu.memory_space<vmem>>
    tpu.wait_dma2 semaphore(%arg11 : memref<!tpu.dma_semaphore, #tpu.memory_space<semaphore_mem>>) src(%dma_wait3A_131 : memref<8x8x128xf32, #tpu.memory_space<vmem>>) dst(%dma_wait3A_127 : memref<8x8x128xf32, #tpu.memory_space<hbm>>)
    %dma_wait3A_132 = arith.constant 0 : i32
    %dma_wait3A_133 = arith.constant 0 : i32
    %dma_wait3A_134 = arith.constant 0 : i32
    %dma_wait3A_135 = arith.constant 0 : i32
    %dma_wait3A_136 = arith.constant 0 : i32
    %dma_wait3A_137 = tpu.memref_slice %arg9[%dma_wait3A_134, %dma_wait3A_135, %dma_wait3A_136] : memref<8x32x129xf32, #tpu.memory_space<vmem>> -> memref<8x8x128xf32, #tpu.memory_space<vmem>>
    %dma_wait3A_138 = arith.constant 0 : i32
    %dma_wait3A_139 = arith.constant 0 : i32
    %dma_wait3A_140 = arith.constant 0 : i32
    %dma_wait3A_141 = tpu.memref_slice %arg4[%dma_wait3A_138, %dma_wait3A_132, %dma_wait3A_133, %dma_wait3A_139, %dma_wait3A_140] : memref<200x4x128x8x128xf32, #tpu.memory_space<hbm>> -> memref<8x1x1x8x128xf32, #tpu.memory_space<hbm>>
    %dma_wait3A_142 = tpu.memref_squeeze %dma_wait3A_141 : memref<8x1x1x8x128xf32, #tpu.memory_space<hbm>> -> memref<8x8x128xf32, #tpu.memory_space<hbm>>
    %dma_wait3A_143 = arith.constant 0 : i32
    %dma_wait3A_144 = arith.constant 0 : i32
    %dma_wait3A_145 = arith.constant 0 : i32
    %dma_wait3A_146 = tpu.memref_slice %arg4[%dma_wait3A_143, %dma_wait3A_132, %dma_wait3A_133, %dma_wait3A_144, %dma_wait3A_145] : memref<200x4x128x8x128xf32, #tpu.memory_space<hbm>> -> memref<8x1x1x8x128xf32, #tpu.memory_space<hbm>>
    %dma_wait3A_147 = tpu.memref_squeeze %dma_wait3A_146 : memref<8x1x1x8x128xf32, #tpu.memory_space<hbm>> -> memref<8x8x128xf32, #tpu.memory_space<hbm>>
    %dma_wait3A_148 = arith.constant 0 : i32
    %dma_wait3A_149 = arith.constant 0 : i32
    %dma_wait3A_150 = arith.constant 0 : i32
    %dma_wait3A_151 = tpu.memref_slice %arg9[%dma_wait3A_148, %dma_wait3A_149, %dma_wait3A_150] : memref<8x32x129xf32, #tpu.memory_space<vmem>> -> memref<8x8x128xf32, #tpu.memory_space<vmem>>
    tpu.wait_dma2 semaphore(%arg11 : memref<!tpu.dma_semaphore, #tpu.memory_space<semaphore_mem>>) src(%dma_wait3A_151 : memref<8x8x128xf32, #tpu.memory_space<vmem>>) dst(%dma_wait3A_147 : memref<8x8x128xf32, #tpu.memory_space<hbm>>)
    %dma_wait3A_152 = arith.constant 0 : i32
    %dma_wait3A_153 = arith.constant 0 : i32
    %dma_wait3A_154 = arith.constant 0 : i32
    %dma_wait3A_155 = arith.constant 0 : i32
    %dma_wait3A_156 = arith.constant 0 : i32
    %dma_wait3A_157 = tpu.memref_slice %arg9[%dma_wait3A_154, %dma_wait3A_155, %dma_wait3A_156] : memref<8x32x129xf32, #tpu.memory_space<vmem>> -> memref<8x8x128xf32, #tpu.memory_space<vmem>>
    %dma_wait3A_158 = arith.constant 0 : i32
    %dma_wait3A_159 = arith.constant 0 : i32
    %dma_wait3A_160 = arith.constant 0 : i32
    %dma_wait3A_161 = tpu.memref_slice %arg4[%dma_wait3A_158, %dma_wait3A_152, %dma_wait3A_153, %dma_wait3A_159, %dma_wait3A_160] : memref<200x4x128x8x128xf32, #tpu.memory_space<hbm>> -> memref<8x1x1x8x128xf32, #tpu.memory_space<hbm>>
    %dma_wait3A_162 = tpu.memref_squeeze %dma_wait3A_161 : memref<8x1x1x8x128xf32, #tpu.memory_space<hbm>> -> memref<8x8x128xf32, #tpu.memory_space<hbm>>
    %dma_wait3A_163 = arith.constant 0 : i32
    %dma_wait3A_164 = arith.constant 0 : i32
    %dma_wait3A_165 = arith.constant 0 : i32
    %dma_wait3A_166 = tpu.memref_slice %arg4[%dma_wait3A_163, %dma_wait3A_152, %dma_wait3A_153, %dma_wait3A_164, %dma_wait3A_165] : memref<200x4x128x8x128xf32, #tpu.memory_space<hbm>> -> memref<8x1x1x8x128xf32, #tpu.memory_space<hbm>>
    %dma_wait3A_167 = tpu.memref_squeeze %dma_wait3A_166 : memref<8x1x1x8x128xf32, #tpu.memory_space<hbm>> -> memref<8x8x128xf32, #tpu.memory_space<hbm>>
    %dma_wait3A_168 = arith.constant 0 : i32
    %dma_wait3A_169 = arith.constant 0 : i32
    %dma_wait3A_170 = arith.constant 0 : i32
    %dma_wait3A_171 = tpu.memref_slice %arg9[%dma_wait3A_168, %dma_wait3A_169, %dma_wait3A_170] : memref<8x32x129xf32, #tpu.memory_space<vmem>> -> memref<8x8x128xf32, #tpu.memory_space<vmem>>
    tpu.wait_dma2 semaphore(%arg11 : memref<!tpu.dma_semaphore, #tpu.memory_space<semaphore_mem>>) src(%dma_wait3A_171 : memref<8x8x128xf32, #tpu.memory_space<vmem>>) dst(%dma_wait3A_167 : memref<8x8x128xf32, #tpu.memory_space<hbm>>)
    return
  }
}

</mosaic_0001>

<sc_bundles>
// kernel: kernel.3.cloned.1.call-start
scs
__scs_entry_jumppad:
0x0: {  	(pc) =	sbr.rel $0x88, $3  }
0x1: {  	(tag) =	ssettag $0x0;
	lr =	simm.s32 $0x1  }
0x2: {  	[smem:$0x3F9F] =	sst lr;
	_ =	strace $0xD0000000  }
0x3: {  	_ = 	snop  }
0x4: {  	_ = 	snop  }
0x5: {  	_ = 	snop  }
0x6: {  	_ = 	snop  }
0x7: {  	_ = 	snop  }
__scs_overlays_trampoline_lowered:
0x8: {  	[smem:$0x3FAE] =	sst s0  }
0x9: {  	[smem:$0x3FAF] =	sst s1  }
0xa: {  	[smem:$0x3FB0] =	sst s2  }
0xb: {  	[smem:$0x3FB1] =	sst s3  }
0xc: {  	[smem:$0x3FB2] =	sst s4  }
0xd: {  	[smem:$0x3FB3] =	sst s5  }
0xe: {  	[smem:$0x3FB4] =	sst s6  }
0xf: {  	[smem:$0x3FB5] =	sst s7  }
0x10: {  	[smem:$0x3FB6] =	sst s8  }
0x11: {  	[smem:$0x3FB7] =	sst s9;
	s0 =	simm.s32 @!p0 $0x0  }
0x12: {  	s1 =	sld [smem:$0x3F9D];
	s0 =	simm.s32 @p0 $0x1  }
0x13: {  	[smem:$0x3FB8] =	sst s0;
	s0 =	simm.s32 @!p1 $0x0  }
0x14: {  	s2 =	sld [smem:$0x3F9C];
	s0 =	simm.s32 @p1 $0x1  }
0x15: {  	[smem:$0x3FB9] =	sst s0;
	s0 =	simm.s32 @!p2 $0x0  }
0x16: {  	s3 =	sld [smem:$0x3FDB];
	s0 =	simm.s32 @p2 $0x1  }
0x17: {  	s4 =	simm.s32 $0x1BF5;
	[smem:$0x3FBB] =	sst s0  }
0x18: {  	s0 =	sld [smem:$0x3F9E];
	_ =	swait.ge [sflag:s4], $0x0  }
0x19: {  	s7 =	sld [smem:$0x3F9F]  }
0x1a: {  	s8 =	sadd.s32 $0xFFFFE003, lr  }
0x1b: {  	s9 =	sadd.s32 $0xFFFFFEF7, lr;
	s5 =	simm.s32 $0xFFFFFFFF;
	p2 =	slt.u32 s8, $0xFFFFF086  }
0x1c: {  	p1 =	slt.u32 s9, $0xF7A;
	s5 =	simm.s32 @!p2 $0x0  }
0x1d: {  	s5 =	simm.s32 @p1 $0x1;
	p0 =	seq.s32 s7, s2  }
0x1e: {  	s7 =	smul.u32 @!p0 $0xF7A, s2;
	p2 =	seq.s32 @!p0 s5, $0x0  }
0x1f: {  	s9 =	smul.u32 $0xF7A, s1;
	s8 =	simm.s32 @!p0 $0x1BF5;
	p2 =	por !p2, p0  }
0x20: {  	[sflag:s8] =	ssyncset.s32 @!p0 $0xFFFFF086;
	s6 =	sadd.s32 @!p0 s3, s7;
	s7 =	simm.s32 @!p0 $0x108  }
0x21: {  	s3 =	sadd.s32 s3, s9;
	s6 =	sadd.s32 @!p0 $0x88, s6;
	s7 =	simm.s32 @p2 $0x1082  }
0x22: {  	[simem:s7], [sflag:s8] =	dma.local @!p0 [hbm:s6], $0xF7A  }
0x23: {  	s9 =	sor.u32 $0xD0000000, s2;
	s6 =	simm.s32 $0x108;
	_ =	swait.ge @!p0 [sflag:s8], $0x0  }
0x24: {  	s3 =	sadd.s32 $0x88, s3;
	s6 =	simm.s32 @!p1 $0x1082;
	[sflag:s4] =	ssyncset.s32 $0xFFFFF086  }
0x25: {  	[simem:s6], [sflag:s4] =	dma.local [hbm:s3], $0xF7A  }
0x26: {  	[smem:$0x3F9F] =	sst s1;
	(tag) =	ssettag s2;
	_ =	strace s9  }
0x27: {  	s1 =	sld [smem:$0x3FAF]  }
0x28: {  	s2 =	sld [smem:$0x3FB0]  }
0x29: {  	s4 =	sld [smem:$0x3FB2]  }
0x2a: {  	p0 =	seq.s32 s5, $0x0;
	s5 =	sld [smem:$0x3FB3]  }
0x2b: {  	s6 =	sld [smem:$0x3FB4]  }
0x2c: {  	s7 =	sld [smem:$0x3FB5]  }
0x2d: {  	s3 =	simm.s32 $0x108;
	s8 =	sld [smem:$0x3FB6]  }
0x2e: {  	s3 =	simm.s32 @!p0 $0x1082;
	s9 =	sld [smem:$0x3FB7]  }
0x2f: {  	lr =	sadd.s32 s0, s3;
	s0 =	sld [smem:$0x3FAE]  }
0x30: {  	s3 =	sld [smem:$0x3FB1]  }
0x31: {  	[smem:$0x3FBA] =	sst s10  }
0x32: {  	s10 =	sld [smem:$0x3FB8];
	_ =	sdelay $0x3  }
0x33: {  	p0 =	seq.s32 s10, $0x1;
	s10 =	sld [smem:$0x3FBA];
	_ =	sdelay $0x3  }
0x34: {  	[smem:$0x3FBA] =	sst s10  }
0x35: {  	s10 =	sld [smem:$0x3FB9];
	_ =	sdelay $0x3  }
0x36: {  	p1 =	seq.s32 s10, $0x1;
	s10 =	sld [smem:$0x3FBA];
	_ =	sdelay $0x3  }
0x37: {  	[smem:$0x3FBA] =	sst s10  }
0x38: {  	s10 =	sld [smem:$0x3FBB]  }
0x39: {  	_ = 	snop;
	(pc) =	sbr.ind lr, $3  }
0x3a: {  	_ = 	snop  }
0x3b: {  	_ = 	snop  }
0x3c: {  	p2 =	seq.s32 s10, $0x1;
	s10 =	sld [smem:$0x3FBA]  }
0x3d: {  	_ =	shalt  }
0x3e: {  	_ =	shalt  }
0x3f: {  	_ =	shalt  }
0x40: {  	_ =	shalt  }
0x41: {  	_ =	shalt  }
0x42: {  	_ =	shalt  }
0x43: {  	_ =	shalt  }
0x44: {  	_ =	shalt  }
0x45: {  	_ =	shalt  }
0x46: {  	_ =	shalt  }
0x47: {  	_ =	shalt  }
0x48: {  	_ =	shalt  }
0x49: {  	_ =	shalt  }
0x4a: {  	_ =	shalt  }
0x4b: {  	_ =	shalt  }
0x4c: {  	_ =	shalt  }
0x4d: {  	_ =	shalt  }
0x4e: {  	_ =	shalt  }
0x4f: {  	_ =	shalt  }
0x50: {  	_ =	shalt  }
0x51: {  	_ =	shalt  }
0x52: {  	_ =	shalt  }
0x53: {  	_ =	shalt  }
0x54: {  	_ =	shalt  }
0x55: {  	_ =	shalt  }
0x56: {  	_ =	shalt  }
0x57: {  	_ =	shalt  }
0x58: {  	_ =	shalt  }
0x59: {  	_ =	shalt  }
0x5a: {  	_ =	shalt  }
0x5b: {  	_ =	shalt  }
0x5c: {  	_ =	shalt  }
0x5d: {  	_ =	shalt  }
0x5e: {  	_ =	shalt  }
0x5f: {  	_ =	shalt  }
0x60: {  	_ =	shalt  }
0x61: {  	_ =	shalt  }
0x62: {  	_ =	shalt  }
0x63: {  	_ =	shalt  }
0x64: {  	_ =	shalt  }
0x65: {  	_ =	shalt  }
0x66: {  	_ =	shalt  }
0x67: {  	_ =	shalt  }
0x68: {  	_ =	shalt  }
0x69: {  	_ =	shalt  }
0x6a: {  	_ =	shalt  }
0x6b: {  	_ =	shalt  }
0x6c: {  	_ =	shalt  }
0x6d: {  	_ =	shalt  }
0x6e: {  	_ =	shalt  }
0x6f: {  	_ =	shalt  }
0x70: {  	_ =	shalt  }
0x71: {  	_ =	shalt  }
0x72: {  	_ =	shalt  }
0x73: {  	_ =	shalt  }
0x74: {  	_ =	shalt  }
0x75: {  	_ =	shalt  }
0x76: {  	_ =	shalt  }
0x77: {  	_ =	shalt  }
0x78: {  	_ =	shalt  }
0x79: {  	_ =	shalt  }
0x7a: {  	_ =	shalt  }
0x7b: {  	_ =	shalt  }
0x7c: {  	_ =	shalt  }
0x7d: {  	_ =	shalt  }
0x7e: {  	_ =	shalt  }
0x7f: {  	_ =	shalt  }
0x80: {  	_ =	shalt  }
0x81: {  	_ =	shalt  }
0x82: {  	_ =	shalt  }
0x83: {  	_ =	shalt  }
0x84: {  	_ =	shalt  }
0x85: {  	_ =	shalt  }
0x86: {  	_ =	shalt  }
0x87: {  	_ =	shalt  }
.Lfunc_end0:
.L_simem_size_0:
called_computation_lowered:
.L_overlay_start_0:
0x88: {  	s2 =	sld [smem:$0x3FD9]  }
0x89: {  	s3 =	sld [smem:$0x3FFE];
	_ =	sdelay $0x1  }
0x8a: {  	s1 =	srdreg.scid  }
0x8b: {  	s0 =	sand.u32 $0x1, s1  }
0x8c: {  	s17 =	sshll.u32 s0, $0xA;
	s2 =	sadd.s32 s3, s2  }
0x8d: {  	s2 =	sadd.s32 s2, s17  }
0x8e: {  	[smem:$0x3FC6] =	sst s2  }
0x8f: {  	_ = 	snop  }
0x90: {  	s2 =	sld [smem:$0x3FC9]  }
0x91: {  	s18 =	sld [smem:$0x3FD0];
	(tm) =	ssettm $0x1  }
0x92: {  	s4 =	sld [smem:$0x3FFB];
	_ =	sdelay $0x3  }
0x93: {  	_ =	strace s4  }
0x94: {  	s4 =	sld [smem:$0x3FFC];
	_ =	sdelay $0x3  }
0x95: {  	_ =	strace s4  }
0x96: {  	s4 =	sld [smem:$0x3FFD];
	_ =	sdelay $0x3  }
0x97: {  	_ =	strace s4  }
0x98: {  	_ =	strace $0x8FFFFFFF  }
0x99: {  	s19 =	sld [smem:$0x3FDB];
	_ =	sdelay $0x1  }
0x9a: {  	s5 =	simm.s32 $_scs_section_size  }
0x9b: {  	s6 =	simm.s32 $_size__tile_overlayer_lowered;
	s7 =	simm.s32 $_tile_overlayer_lowered  }
0x9c: {  	s22 =	simm.s32 $0x1BFF;
	s21 =	sshll.u32 s7, $0x1;
	s4 =	sadd.s32 s5, s19  }
0x9d: {  	s8 =	simm.s32 $0x0;
	s20 =	sshll.u32 s6, $0x1;
	s6 =	sadd.s32 s21, s4  }
0x9e: {  	[timem:s8], [sflag:s22] =	dma.local [hbm:s6], s20  }
0x9f: {  	_ =	swait.ge [sflag:s22], s20  }
0xa0: {  	s5 =	ssub.s32 $0x0, s20;
	[sflag:s22] =	ssyncset.done $0x0  }
0xa1: {  	[sflag:s22] =	ssyncadd.s32 s5;
	_ =	sdelay $0x1  }
0xa2: {  	s23 =	simm.s32 $0x1B8B  }
0xa3: {  	_ =	swait.ge [sflag:s23], $0x1  }
0xa4: {  	[sflag:s23] =	ssyncset.done $0x0  }
0xa5: {  	s25 =	simm.s32 $0x1B8E;
	s24 =	sld [smem:$0x3FFE];
	[sflag:s23] =	ssyncadd.s32 $0xFFFFFFFF  }
0xa6: {  	s26 =	simm.s32 $execute0_lowered;
	[smem:$0x3FD2] =	sst s25  }
0xa7: {  	s6 =	sshll.u32 s26, $0x1;
	_ =	strace $0x80000046;
	[dreg:$0x1] =	wrdreg $0xFFFFFFFF  }
0xa8: {  	s28 =	simm.s32 $_size_execute0_lowered;
	s4 =	sadd.s32 s4, s6;
	[dreg:$0x0] =	wrdreg $0x0  }
0xa9: {  	s6 =	sshll.u32 s28, $0x1;
	[dreg:$0x2] =	wrdreg s4  }
0xaa: {  	[dreg:$0x3] =	wrdreg s6  }
0xab: {  	[dreg:$0x4] =	wrdreg $0xC0  }
0xac: {  	_ =	task [dreg:s8], $0x5FFFF  }
0xad: {  	[dreg:$0x1] =	wrdreg $0xFFFFFFFF  }
0xae: {  	[dreg:$0x0] =	wrdreg $0x60  }
0xaf: {  	[dreg:$0x2] =	wrdreg s2  }
0xb0: {  	[dreg:$0x3] =	wrdreg s24  }
0xb1: {  	[dreg:$0x4] =	wrdreg s18  }
0xb2: {  	[dreg:$0x5] =	wrdreg $0x9  }
0xb3: {  	_ =	task.clear_ibuf [dreg:s8], $0x6FFFF;
	_ =	strace $0x90000046  }
0xb4: {  	s29 =	simm.s32 $0x9;
	_ =	strace $0x80000048  }
0xb5: {  	_ =	swait.ge [sflag:s29], $0x1  }
0xb6: {  	[sflag:s29] =	ssyncadd.s32 $0xFFFFFFFF  }
0xb7: {  	_ =	strace $0x90000048  }
0xb8: {  	_ =	sfence  }
0xb9: {  	s30 =	sld [smem:$0x0];
	_ =	sdelay $0x2  }
0xba: {  	s31 =	sshll.u32 s1, $0xD;
	s1 =	sshrl.u32 s1, $0x2  }
0xbb: {  	s3 =	sand.u32 $0x4000, s31;
	s1 =	sadd.s32 s1, s30  }
0xbc: {  	s0 =	sor.u32 s3, s0;
	s1 =	sshll.u32 s1, $0x11  }
0xbd: {  	s0 =	sor.u32 s1, s0  }
0xbe: {  	s0 =	sadd.s32 $0x8F2B, s0  }
0xbf: {  	[sflag:s0] =	ssyncadd.remote.s32 $0x1  }
0xc0: {  	_ =	sfence.sel $0xFFFF  }
0xc1: {  	[dreg:$0x0] =	wrdreg $0xFFFFFFFF;
	(pc) =	sbr.abs _section_cstart, $3  }
0xc2: {  	[dreg:$0x1] =	wrdreg $0xFFFFFFFF  }
0xc3: {  	_ =	task.clear_ibuf [dreg:s8], $0x2FFFF;
	_ =	strace $0x9FFFFFFF  }
0xc4: {  	(tm) =	ssettm $0x7FFFFFFF  }
0xc5: {  	_ =	shalt  }
tec
execute0_lowered:
.L_overlay_start_1:
0x0: {  	(tag) =	ssettag $0x1  }
0x1: {  	s0 =	rddreg [dreg:$0x0]  }
0x2: {  	s1 =	rddreg [dreg:$0x1];
	s3 =	srdreg.scid  }
0x3: {  	s5 =	stileid.u32;
	s2 =	rddreg [dreg:$0x2]  }
0x4: {  	s13 =	simm.s32 $0x4;
	s14 =	simm.s32 $0x400;
	s16 =	simm.s32 $0x8800  }
0x5: {  	s17 =	simm.s32 $0x1;
	s18 =	simm.s32 $0x2;
	s19 =	simm.s32 $0x3  }
0x6: {  	s20 =	simm.s32 $0x0;
	s4 =	sand.u32 $0x1, s3;
	s5 =	sshll.u32 s5, $0x1  }
0x7: {  	s3 =	simm.s32 $0x0;
	s9 =	sadd.s32 $0x8000, s2;
	s10 =	sadd.s32 $0xC000, s2  }
.Ltmp0:
0x8: {  	s12 =	sadd.s32 $0x100, s0;
	s6 =	sor.u32 s4, s5;
	(pc) =	sbr.rel .LBB2_1-.Ltmp0, $4  }
0x9: {  	v0 =	vlaneseq.u32;
	[smem:$0x7FF] =	sst s3;
	s30 =	ssub.s32 $0x2, s4;
	s7 =	smul.u32 $0x3200, s6  }
0xa: {  	v0 =	vmul.u32 $0x88, v0;
	s4 =	sadd.s32 $0xF42800, s1;
	_ =	strace $0x80000047;
	s8 =	sshrl.u32 s30, $0x1  }
0xb: {  	s6 =	smul.u32 $0x64, s6;
	s31 =	ssub.s32 s30, s8;
	s5 =	sadd.s32 s0, s7  }
0xc: {  	v1 =	vadd.s32 $0x880, v0;
	s8 =	sadd.s32 $0x4000, s2;
	s11 =	smax.u32 s31, $0x1;
	s7 =	sadd.s32 $0x80, s5  }
.LBB2_12:
0xd: {  	_ =	swait.ge [sflag:s18], $0x2000  }
0xe: {  	[sflag:s18] =	ssyncset.done $0x0  }
0xf: {  	[sflag:s18] =	ssyncadd.s32 $0xFFFFE000  }
0x10: {  	_ =	swait.ge [sflag:s18], $0x2000  }
0x11: {  	[sflag:s18] =	ssyncset.done $0x0  }
0x12: {  	s20 =	sadd.s32 $0x1, s20;
	[sflag:s18] =	ssyncadd.s32 $0xFFFFE000  }
0x13: {  	p0 =	sne.s32 s20, s11;
	_ =	swait.ge [sflag:s18], $0x2000  }
.Ltmp1:
0x14: {  	[sflag:s18] =	ssyncset.done $0x0;
	(pc) =	sbr.rel @!p0 .LBB2_13-.Ltmp1, $4  }
0x15: {  	[sflag:s18] =	ssyncadd.s32 $0xFFFFE000  }
0x16: {  	_ =	swait.ge [sflag:s18], $0x2000  }
0x17: {  	[sflag:s18] =	ssyncset.done $0x0  }
0x18: {  	[sflag:s18] =	ssyncadd.s32 $0xFFFFE000  }
.LBB2_1:
0x19: {  	[tilespmem:s3], [sflag:$0x4] =	stream.linear.gather [hbm4b:s5+s3], $0x400, $0x38;
	[tilespmem:$0x19000] =	vst v63  }
0x1a: {  	_ =	swait.ge [sflag:s13], $0x400  }
0x1b: {  	[sflag:s13] =	ssyncset.done $0x0  }
0x1c: {  	s0 =	simm.s32 $0x800;
	[sflag:s13] =	ssyncadd.s32 $0xFFFFFC00  }
0x1d: {  	[tilespmem:s0], [sflag:$0x1] =	stream.indirect.gather [hbm4b:s4+s14], $0x20, s3, s14, $0xb8;
	[tilespmem:$0x19000] =	vst v63  }
0x1e: {  	_ = 	snop  }
0x1f: {  	[tilespmem:s14], [sflag:$0x4] =	stream.linear.gather [hbm4b:s7+s3], $0x400, $0x38;
	[tilespmem:$0x19000] =	vst v63  }
0x20: {  	_ =	swait.ge [sflag:s13], $0x400  }
0x21: {  	[sflag:s13] =	ssyncset.done $0x0  }
0x22: {  	s21 =	simm.s32 $0x0;
	[sflag:s13] =	ssyncadd.s32 $0xFFFFFC00  }
0x23: {  	[tilespmem:s16], [sflag:$0x1] =	stream.indirect.gather [hbm4b:s4+s14], $0x20, s14, s14, $0xb8;
	[tilespmem:$0x19000] =	vst v63  }
.LBB2_2:
0x24: {  	p0 =	seq.s32 s21, $0x0  }
0x25: {  	s0 =	simm.s32 @!p0 $0x2  }
0x26: {  	_ =	swait.ge @!p0 [sflag:s0], $0x2000  }
0x27: {  	[sflag:s0] =	ssyncset.done @!p0 $0x0  }
0x28: {  	[sflag:s0] =	ssyncadd.s32 @!p0 $0xFFFFE000  }
0x29: {  	_ =	swait.ge @!p0 [sflag:s0], $0x2000  }
0x2a: {  	[sflag:s0] =	ssyncset.done @!p0 $0x0  }
0x2b: {  	[sflag:s0] =	ssyncadd.s32 @!p0 $0xFFFFE000  }
0x2c: {  	_ =	swait.ge @!p0 [sflag:s0], $0x2000  }
0x2d: {  	[sflag:s0] =	ssyncset.done @!p0 $0x0  }
0x2e: {  	[sflag:s0] =	ssyncadd.s32 @!p0 $0xFFFFE000  }
0x2f: {  	s22 =	sshll.u32 s21, $0x1;
	_ =	swait.ge @!p0 [sflag:s0], $0x2000  }
0x30: {  	s31 =	sadd.s32 s6, s22;
	[sflag:s0] =	ssyncset.done @!p0 $0x0  }
0x31: {  	s24 =	simm.s32 $0x0;
	s1 =	sshll.u32 s31, $0x7;
	[sflag:s0] =	ssyncadd.s32 @!p0 $0xFFFFE000  }
0x32: {  	p0 =	seq.s32 s21, $0x31;
	s0 =	sshll.u32 s31, $0xC;
	_ =	swait.ge [sflag:s17], $0x8000  }
0x33: {  	s15 =	sadd.s32 @!p0 s12, s1;
	s23 =	simm.s32 @!p0 $0x0;
	[sflag:s17] =	ssyncset.done $0x0  }
0x34: {  	s0 =	sand.u32 $0xFF80000, s0;
	s1 =	sand.u32 $0x3F00, s1;
	[sflag:s17] =	ssyncadd.s32 $0xFFFF8000  }
0x35: {  	[tilespmem:s23], [sflag:$0x3] =	stream.linear.gather @!p0 [hbm4b:s15+s23], $0x400, $0x38;
	[tilespmem:$0x19000] =	vst v63  }
0x36: {  	s25 =	simm.s32 $0x840;
	s26 =	simm.s32 $0x0;
	s23 =	sor.u32 s1, s0  }
.LBB2_3:
0x37: {  	s0 =	simm.s32 $0x3  }
0x38: {  	v2 =	vmov s0  }
0x39: {  	v3 =	vmov s24;
	v2 =	vand.u32 $0x7F, v2  }
0x3a: {  	v4 =	vld [tilespmem:s25+$0x20];
	v3 =	vand.u32 $0x7C, v3;
	v5 =	vadd.s32 v0, v2  }
0x3b: {  	v6 =	vld [tilespmem:s25+$0xFFFFFFC0];
	s0 =	smul.u32 $0x4400, s26;
	v7 =	vadd.s32 v0, v3  }
0x3c: {  	s15 =	simm.s32 $0x2  }
0x3d: {  	v9 =	vmov s15;
	s28 =	sshra.s32 s0, $0x2  }
0x3e: {  	s1 =	simm.s32 $0x1;
	v16 =	vand.u32 $0x7E, v9;
	s29 =	sadd.s32 $0x10800, s28  }
0x3f: {  	v8 =	vmov s1;
	v9 =	vld [tilespmem:s25+$0x0];
	v12 =	vadd.s32 v0, v16;
	[tilespmem:v5+s29+$0x0] =	vst.idx.msk $0xffff, v4  }
0x40: {  	s1 =	simm.s32 $0x7;
	v8 =	vand.u32 $0x7D, v8;
	v14 =	vadd.s32 v1, v2;
	[tilespmem:v7+s29+$0x0] =	vst.idx.msk $0xffff, v6;
	v6 =	vld [tilespmem:s25+$0x30]  }
0x41: {  	v10 =	vld [tilespmem:s25+$0xFFFFFFE0];
	s15 =	simm.s32 $0x4;
	v11 =	vadd.s32 v0, v8;
	v4 =	vmov s1  }
0x42: {  	s30 =	sadd.s32 $0x80, s25;
	v18 =	vadd.s32 v1, v3;
	v2 =	vmov s15;
	v17 =	vld [tilespmem:s25+$0xFFFFFFD0];
	s1 =	simm.s32 $0x5;
	v4 =	vand.u32 $0x7F, v4  }
0x43: {  	v19 =	vld [tilespmem:s30+$0x20];
	s15 =	simm.s32 $0x6;
	v5 =	vand.u32 $0x7C, v2;
	v2 =	vmov s1;
	v20 =	vadd.s32 v0, v4  }
0x44: {  	v13 =	vld [tilespmem:s30+$0xFFFFFFC0];
	v7 =	vmov s15;
	[tilespmem:v12+s29+$0x0] =	vst.idx.msk $0xffff, v9;
	v15 =	vadd.s32 v0, v5;
	v3 =	vand.u32 $0x7D, v2  }
0x45: {  	v12 =	vld [tilespmem:s30+$0xFFFFFFE0];
	v2 =	vand.u32 $0x7E, v7;
	[tilespmem:v14+s29+$0x0] =	vst.idx.msk $0xffff, v6;
	v14 =	vadd.s32 v0, v3  }
0x46: {  	[tilespmem:v11+s29+$0x0] =	vst.idx.msk $0xffff, v10;
	v7 =	vld [tilespmem:s30+$0x0];
	v10 =	vadd.s32 v0, v2  }
0x47: {  	s31 =	smov.u32 s30;
	v8 =	vadd.s32 v1, v8;
	[tilespmem:v18+s29+$0x0] =	vst.idx.msk $0xffff, v17;
	v6 =	vld [tilespmem:s25+$0xFFFFFFF0]  }
0x48: {  	s0 =	simm.s32 $0xC;
	s15 =	simm.s32 $0xB;
	v11 =	vadd.s32 v1, v16;
	s1 =	simm.s32 $0x8;
	v9 =	vld [tilespmem:s25+$0x10];
	[tilespmem:v20+s29+$0x0] =	vst.idx.msk $0xffff, v19  }
.LBB2_4:
0x49: {  	p1 =	slt.u32 s0, $0x7C;
	v16 =	vmov s15;
	[tilespmem:v15+s29+$0x0] =	vst.idx.msk $0xffff, v13;
	v17 =	vld [tilespmem:s30+$0x30];
	v18 =	vadd.s32 v1, v4  }
0x4a: {  	v13 =	vmov s1;
	s15 =	sadd.s32 $0x1, s1;
	v19 =	vadd.s32 v1, v5;
	s30 =	sadd.s32 $0x80, s30;
	v4 =	vand.u32 $0x7F, v16;
	v16 =	vld [tilespmem:s31+$0xFFFFFFD0];
	[tilespmem:v14+s29+$0x0] =	vst.idx.msk $0xffff, v12  }
0x4b: {  	v5 =	vand.u32 $0x7C, v13;
	v12 =	vmov s15;
	s15 =	sadd.s32 $0x2, s1;
	s1 =	smov.u32 s0;
	v20 =	vld [tilespmem:s30+$0x20];
	v21 =	vadd.s32 v0, v4;
	[tilespmem:v10+s29+$0x0] =	vst.idx.msk $0xffff, v7  }
.Ltmp2:
0x4c: {  	v15 =	vadd.s32 v0, v5;
	v22 =	vand.u32 $0x7D, v12;
	v7 =	vmov s15;
	v13 =	vld [tilespmem:s30+$0xFFFFFFC0];
	[tilespmem:v8+s29+$0x0] =	vst.idx.msk $0xffff, v6;
	(pc) =	sbr.rel @p1 .LBB2_4-.Ltmp2, $4  }
0x4d: {  	v14 =	vadd.s32 v0, v22;
	v23 =	vand.u32 $0x7E, v7;
	v12 =	vld [tilespmem:s30+$0xFFFFFFE0];
	[tilespmem:v11+s29+$0x0] =	vst.idx.msk $0xffff, v9  }
0x4e: {  	v10 =	vadd.s32 v0, v23;
	v7 =	vld [tilespmem:s30+$0x0];
	[tilespmem:v18+s29+$0x0] =	vst.idx.msk $0xffff, v17  }
0x4f: {  	v8 =	vadd.s32 v1, v3;
	v3 =	vmov v22;
	[tilespmem:v19+s29+$0x0] =	vst.idx.msk $0xffff, v16;
	v6 =	vld [tilespmem:s31+$0xFFFFFFF0]  }
0x50: {  	s0 =	sadd.s32 $0x4, s0;
	s15 =	sadd.s32 $0x3, s1;
	v11 =	vadd.s32 v1, v2;
	v2 =	vmov v23;
	[tilespmem:v21+s29+$0x0] =	vst.idx.msk $0xffff, v20;
	v9 =	vld [tilespmem:s31+$0x10];
	s31 =	smov.u32 s30  }
0x51: {  	_ =	sdelay $0x3  }
0x52: {  	v16 =	vmov s15;
	[tilespmem:v15+s29+$0x0] =	vst.idx.msk $0xffff, v13;
	v46 =	vld [tilespmem:s30+$0x30];
	v4 =	vadd.s32 v1, v4  }
0x53: {  	v47 =	vmov s1;
	s0 =	sadd.s32 $0x1, s1;
	v5 =	vadd.s32 v1, v5;
	s30 =	sadd.s32 $0x80, s30;
	v16 =	vand.u32 $0x7F, v16;
	v17 =	vld [tilespmem:s31+$0xFFFFFFD0];
	[tilespmem:v14+s29+$0x0] =	vst.idx.msk $0xffff, v12  }
0x54: {  	s1 =	sadd.s32 $0x2, s1;
	v48 =	vand.u32 $0x7C, v47;
	v49 =	vmov s0;
	v50 =	vld [tilespmem:s30+$0x20];
	v18 =	vadd.s32 v0, v16;
	[tilespmem:v10+s29+$0x0] =	vst.idx.msk $0xffff, v7  }
0x55: {  	v51 =	vld [tilespmem:s30+$0xFFFFFFC0];
	v19 =	vmov s1;
	v52 =	vadd.s32 v0, v48;
	v14 =	vand.u32 $0x7D, v49;
	[tilespmem:v8+s29+$0x0] =	vst.idx.msk $0xffff, v6  }
0x56: {  	v53 =	vld [tilespmem:s30+$0xFFFFFFE0];
	v19 =	vand.u32 $0x7E, v19;
	v54 =	vadd.s32 v0, v14;
	[tilespmem:v11+s29+$0x0] =	vst.idx.msk $0xffff, v9  }
0x57: {  	v55 =	vld [tilespmem:s30+$0x0];
	v56 =	vadd.s32 v0, v19;
	[tilespmem:v4+s29+$0x0] =	vst.idx.msk $0xffff, v46  }
0x58: {  	v3 =	vadd.s32 v1, v3;
	v57 =	vld [tilespmem:s31+$0xFFFFFFF0];
	[tilespmem:v5+s29+$0x0] =	vst.idx.msk $0xffff, v17  }
0x59: {  	v2 =	vadd.s32 v1, v2;
	v58 =	vld [tilespmem:s31+$0x10];
	[tilespmem:v18+s29+$0x0] =	vst.idx.msk $0xffff, v50  }
0x5a: {  	v60 =	vadd.s32 v1, v16;
	[tilespmem:v52+s29+$0x0] =	vst.idx.msk $0xffff, v51;
	v59 =	vld [tilespmem:s30+$0x30]  }
0x5b: {  	v12 =	vadd.s32 v1, v48;
	v61 =	vld [tilespmem:s30+$0xFFFFFFD0];
	[tilespmem:v54+s29+$0x0] =	vst.idx.msk $0xffff, v53  }
0x5c: {  	v62 =	vadd.s32 v1, v14;
	[tilespmem:v56+s29+$0x0] =	vst.idx.msk $0xffff, v55;
	v6 =	vld [tilespmem:s30+$0xFFFFFFF0]  }
0x5d: {  	v63 =	vadd.s32 v1, v19;
	[tilespmem:v3+s29+$0x0] =	vst.idx.msk $0xffff, v57;
	v3 =	vld [tilespmem:s30+$0x10]  }
0x5e: {  	[tilespmem:v2+s29+$0x0] =	vst.idx.msk $0xffff, v58  }
0x5f: {  	[tilespmem:v60+s29+$0x0] =	vst.idx.msk $0xffff, v59  }
0x60: {  	s15 =	sshll.u32 s26, $0x10;
	[tilespmem:v12+s29+$0x0] =	vst.idx.msk $0xffff, v61  }
0x61: {  	s30 =	sadd.s32 s23, s15;
	[tilespmem:v62+s29+$0x0] =	vst.idx.msk $0xffff, v6  }
0x62: {  	s0 =	sadd.s32 s2, s30;
	[tilespmem:v63+s29+$0x0] =	vst.idx.msk $0xffff, v3  }
0x63: {  	[hbm4b:s0+s3] =	stream.linear.scatter [tilespmem:s29], [sflag:$0x2], $0x80, $0x38;
	[tilespmem:$0x19000] =	vst v63  }
0x64: {  	s31 =	sadd.s32 $0x10, s0;
	s29 =	sadd.s32 $0x10888, s28  }
0x65: {  	[hbm4b:s31+s3] =	stream.linear.scatter [tilespmem:s29], [sflag:$0x2], $0x80, $0x38;
	[tilespmem:$0x19000] =	vst v63  }
0x66: {  	s29 =	sadd.s32 $0x10910, s28;
	s31 =	sadd.s32 $0x20, s0  }
0x67: {  	[hbm4b:s31+s3] =	stream.linear.scatter [tilespmem:s29], [sflag:$0x2], $0x80, $0x38;
	[tilespmem:$0x19000] =	vst v63  }
0x68: {  	s29 =	sadd.s32 $0x10998, s28;
	s31 =	sadd.s32 $0x30, s0  }
0x69: {  	[hbm4b:s31+s3] =	stream.linear.scatter [tilespmem:s29], [sflag:$0x2], $0x80, $0x38;
	[tilespmem:$0x19000] =	vst v63  }
0x6a: {  	s29 =	sadd.s32 $0x10A20, s28;
	s31 =	sadd.s32 $0x40, s0  }
0x6b: {  	[hbm4b:s31+s3] =	stream.linear.scatter [tilespmem:s29], [sflag:$0x2], $0x80, $0x38;
	[tilespmem:$0x19000] =	vst v63  }
0x6c: {  	s29 =	sadd.s32 $0x10AA8, s28;
	s31 =	sadd.s32 $0x50, s0  }
0x6d: {  	[hbm4b:s31+s3] =	stream.linear.scatter [tilespmem:s29], [sflag:$0x2], $0x80, $0x38;
	[tilespmem:$0x19000] =	vst v63  }
0x6e: {  	s15 =	sadd.s32 $0x10B30, s28;
	s29 =	sadd.s32 $0x60, s0  }
0x6f: {  	[hbm4b:s29+s3] =	stream.linear.scatter [tilespmem:s15], [sflag:$0x2], $0x80, $0x38;
	[tilespmem:$0x19000] =	vst v63  }
0x70: {  	s31 =	sadd.s32 $0x10BB8, s28;
	s0 =	sadd.s32 $0x70, s0  }
0x71: {  	[hbm4b:s0+s3] =	stream.linear.scatter [tilespmem:s31], [sflag:$0x2], $0x80, $0x38;
	[tilespmem:$0x19000] =	vst v63  }
0x72: {  	s15 =	sadd.s32 $0x10C40, s28;
	s0 =	sadd.s32 s30, s8  }
0x73: {  	[hbm4b:s0+s3] =	stream.linear.scatter [tilespmem:s15], [sflag:$0x2], $0x80, $0x38;
	[tilespmem:$0x19000] =	vst v63  }
0x74: {  	s29 =	sadd.s32 $0x10CC8, s28;
	s31 =	sadd.s32 $0x10, s0  }
0x75: {  	[hbm4b:s31+s3] =	stream.linear.scatter [tilespmem:s29], [sflag:$0x2], $0x80, $0x38;
	[tilespmem:$0x19000] =	vst v63  }
0x76: {  	s29 =	sadd.s32 $0x10D50, s28;
	s31 =	sadd.s32 $0x20, s0  }
0x77: {  	[hbm4b:s31+s3] =	stream.linear.scatter [tilespmem:s29], [sflag:$0x2], $0x80, $0x38;
	[tilespmem:$0x19000] =	vst v63  }
0x78: {  	s29 =	sadd.s32 $0x10DD8, s28;
	s31 =	sadd.s32 $0x30, s0  }
0x79: {  	[hbm4b:s31+s3] =	stream.linear.scatter [tilespmem:s29], [sflag:$0x2], $0x80, $0x38;
	[tilespmem:$0x19000] =	vst v63  }
0x7a: {  	s29 =	sadd.s32 $0x10E60, s28;
	s31 =	sadd.s32 $0x40, s0  }
0x7b: {  	[hbm4b:s31+s3] =	stream.linear.scatter [tilespmem:s29], [sflag:$0x2], $0x80, $0x38;
	[tilespmem:$0x19000] =	vst v63  }
0x7c: {  	s29 =	sadd.s32 $0x10EE8, s28;
	s31 =	sadd.s32 $0x50, s0  }
0x7d: {  	[hbm4b:s31+s3] =	stream.linear.scatter [tilespmem:s29], [sflag:$0x2], $0x80, $0x38;
	[tilespmem:$0x19000] =	vst v63  }
0x7e: {  	s15 =	sadd.s32 $0x10F70, s28;
	s29 =	sadd.s32 $0x60, s0  }
0x7f: {  	[hbm4b:s29+s3] =	stream.linear.scatter [tilespmem:s15], [sflag:$0x2], $0x80, $0x38;
	[tilespmem:$0x19000] =	vst v63  }
0x80: {  	s31 =	sadd.s32 $0x10FF8, s28;
	s0 =	sadd.s32 $0x70, s0  }
0x81: {  	[hbm4b:s0+s3] =	stream.linear.scatter [tilespmem:s31], [sflag:$0x2], $0x80, $0x38;
	[tilespmem:$0x19000] =	vst v63  }
0x82: {  	s15 =	sadd.s32 $0x11080, s28;
	s0 =	sadd.s32 s30, s9  }
0x83: {  	[hbm4b:s0+s3] =	stream.linear.scatter [tilespmem:s15], [sflag:$0x2], $0x80, $0x38;
	[tilespmem:$0x19000] =	vst v63  }
0x84: {  	s29 =	sadd.s32 $0x11108, s28;
	s31 =	sadd.s32 $0x10, s0  }
0x85: {  	[hbm4b:s31+s3] =	stream.linear.scatter [tilespmem:s29], [sflag:$0x2], $0x80, $0x38;
	[tilespmem:$0x19000] =	vst v63  }
0x86: {  	s29 =	sadd.s32 $0x11190, s28;
	s31 =	sadd.s32 $0x20, s0  }
0x87: {  	[hbm4b:s31+s3] =	stream.linear.scatter [tilespmem:s29], [sflag:$0x2], $0x80, $0x38;
	[tilespmem:$0x19000] =	vst v63  }
0x88: {  	s29 =	sadd.s32 $0x11218, s28;
	s31 =	sadd.s32 $0x30, s0  }
0x89: {  	[hbm4b:s31+s3] =	stream.linear.scatter [tilespmem:s29], [sflag:$0x2], $0x80, $0x38;
	[tilespmem:$0x19000] =	vst v63  }
0x8a: {  	s29 =	sadd.s32 $0x112A0, s28;
	s31 =	sadd.s32 $0x40, s0  }
0x8b: {  	[hbm4b:s31+s3] =	stream.linear.scatter [tilespmem:s29], [sflag:$0x2], $0x80, $0x38;
	[tilespmem:$0x19000] =	vst v63  }
0x8c: {  	s29 =	sadd.s32 $0x11328, s28;
	s31 =	sadd.s32 $0x50, s0  }
0x8d: {  	[hbm4b:s31+s3] =	stream.linear.scatter [tilespmem:s29], [sflag:$0x2], $0x80, $0x38;
	[tilespmem:$0x19000] =	vst v63  }
0x8e: {  	s29 =	sadd.s32 $0x113B0, s28;
	s31 =	sadd.s32 $0x60, s0  }
0x8f: {  	[hbm4b:s31+s3] =	stream.linear.scatter [tilespmem:s29], [sflag:$0x2], $0x80, $0x38;
	[tilespmem:$0x19000] =	vst v63  }
0x90: {  	s15 =	sadd.s32 $0x11438, s28;
	s0 =	sadd.s32 $0x70, s0  }
0x91: {  	[hbm4b:s0+s3] =	stream.linear.scatter [tilespmem:s15], [sflag:$0x2], $0x80, $0x38;
	[tilespmem:$0x19000] =	vst v63  }
0x92: {  	s29 =	sadd.s32 $0x114C0, s28;
	s0 =	sadd.s32 s30, s10  }
0x93: {  	[hbm4b:s0+s3] =	stream.linear.scatter [tilespmem:s29], [sflag:$0x2], $0x80, $0x38;
	[tilespmem:$0x19000] =	vst v63  }
0x94: {  	s30 =	sadd.s32 $0x11548, s28;
	s31 =	sadd.s32 $0x10, s0  }
0x95: {  	[hbm4b:s31+s3] =	stream.linear.scatter [tilespmem:s30], [sflag:$0x2], $0x80, $0x38;
	[tilespmem:$0x19000] =	vst v63  }
0x96: {  	s15 =	sadd.s32 $0x115D0, s28;
	s29 =	sadd.s32 $0x20, s0  }
0x97: {  	[hbm4b:s29+s3] =	stream.linear.scatter [tilespmem:s15], [sflag:$0x2], $0x80, $0x38;
	[tilespmem:$0x19000] =	vst v63  }
0x98: {  	s30 =	sadd.s32 $0x11658, s28;
	s31 =	sadd.s32 $0x30, s0  }
0x99: {  	[hbm4b:s31+s3] =	stream.linear.scatter [tilespmem:s30], [sflag:$0x2], $0x80, $0x38;
	[tilespmem:$0x19000] =	vst v63  }
0x9a: {  	s26 =	sadd.s32 $0x1, s26;
	s15 =	sadd.s32 $0x116E0, s28;
	s29 =	sadd.s32 $0x40, s0  }
0x9b: {  	[hbm4b:s29+s3] =	stream.linear.scatter [tilespmem:s15], [sflag:$0x2], $0x80, $0x38;
	[tilespmem:$0x19000] =	vst v63  }
0x9c: {  	p1 =	sne.s32 s26, $0x8;
	s30 =	sadd.s32 $0x11768, s28;
	s31 =	sadd.s32 $0x50, s0  }
0x9d: {  	[hbm4b:s31+s3] =	stream.linear.scatter [tilespmem:s30], [sflag:$0x2], $0x80, $0x38;
	[tilespmem:$0x19000] =	vst v63  }
.Ltmp3:
0x9e: {  	_ = 	snop;
	(pc) =	sbr.rel @p1 .LBB2_3-.Ltmp3, $4  }
0x9f: {  	s29 =	sadd.s32 $0x117F0, s28;
	s30 =	sadd.s32 $0x60, s0  }
0xa0: {  	[hbm4b:s30+s3] =	stream.linear.scatter [tilespmem:s29], [sflag:$0x2], $0x80, $0x38;
	[tilespmem:$0x19000] =	vst v63  }
0xa1: {  	s25 =	sadd.s32 $0x1000, s25;
	s31 =	sadd.s32 $0x11878, s28;
	s0 =	sadd.s32 $0x70, s0  }
0xa2: {  	[hbm4b:s0+s3] =	stream.linear.scatter [tilespmem:s31], [sflag:$0x2], $0x80, $0x38;
	[tilespmem:$0x19000] =	vst v63  }
0xa3: {  	s0 =	simm.s32 @!p0 $0x3  }
0xa4: {  	_ =	swait.ge @!p0 [sflag:s0], $0x400  }
0xa5: {  	s1 =	simm.s32 @!p0 $0x0;
	[sflag:s0] =	ssyncset.done @!p0 $0x0  }
0xa6: {  	s15 =	simm.s32 @!p0 $0x800;
	[sflag:s0] =	ssyncadd.s32 @!p0 $0xFFFFFC00;
	s0 =	simm.s32 @!p0 $0x400  }
0xa7: {  	[tilespmem:s15], [sflag:$0x1] =	stream.indirect.gather @!p0 [hbm4b:s4+s0], $0x20, s1, s0, $0xb8;
	[tilespmem:$0x19000] =	vst v63  }
0xa8: {  	_ =	swait.ge [sflag:s18], $0x2000  }
0xa9: {  	[sflag:s18] =	ssyncset.done $0x0  }
0xaa: {  	[sflag:s18] =	ssyncadd.s32 $0xFFFFE000  }
0xab: {  	_ =	swait.ge [sflag:s18], $0x2000  }
0xac: {  	[sflag:s18] =	ssyncset.done $0x0  }
0xad: {  	[sflag:s18] =	ssyncadd.s32 $0xFFFFE000  }
0xae: {  	_ =	swait.ge [sflag:s18], $0x2000  }
0xaf: {  	[sflag:s18] =	ssyncset.done $0x0  }
0xb0: {  	[sflag:s18] =	ssyncadd.s32 $0xFFFFE000  }
0xb1: {  	_ =	swait.ge [sflag:s18], $0x2000  }
0xb2: {  	[sflag:s18] =	ssyncset.done $0x0  }
0xb3: {  	s29 =	sadd.s32 s22, s6;
	[sflag:s18] =	ssyncadd.s32 $0xFFFFE000  }
0xb4: {  	s15 =	sadd.s32 $0x1, s29;
	_ =	swait.ge [sflag:s17], $0x8000  }
0xb5: {  	s22 =	sshll.u32 s15, $0x7;
	[sflag:s17] =	ssyncset.done $0x0  }
0xb6: {  	s30 =	sshll.u32 s15, $0xC;
	s23 =	sadd.s32 @!p0 s12, s22;
	[sflag:s17] =	ssyncadd.s32 $0xFFFF8000  }
0xb7: {  	[tilespmem:s0], [sflag:$0x3] =	stream.linear.gather @!p0 [hbm4b:s23+s1], $0x400, $0x38;
	[tilespmem:$0x19000] =	vst v63  }
0xb8: {  	s24 =	simm.s32 $0x8840;
	s31 =	sand.u32 $0x3F80, s22;
	s0 =	sand.u32 $0xFF80000, s30  }
0xb9: {  	s25 =	simm.s32 $0x0;
	s23 =	simm.s32 $0x0;
	s22 =	sor.u32 s31, s0  }
.LBB2_7:
0xba: {  	s0 =	simm.s32 $0x3  }
0xbb: {  	v2 =	vmov s0  }
0xbc: {  	v3 =	vmov s23;
	v2 =	vand.u32 $0x7F, v2  }
0xbd: {  	v4 =	vld [tilespmem:s24+$0x20];
	v3 =	vand.u32 $0x7C, v3;
	v5 =	vadd.s32 v0, v2  }
0xbe: {  	s31 =	smul.u32 $0x4400, s25;
	v6 =	vld [tilespmem:s24+$0xFFFFFFC0];
	v7 =	vadd.s32 v0, v3  }
0xbf: {  	s15 =	simm.s32 $0x2  }
0xc0: {  	v9 =	vmov s15;
	s26 =	sshra.s32 s31, $0x2  }
0xc1: {  	s1 =	simm.s32 $0x1;
	v16 =	vand.u32 $0x7E, v9;
	s28 =	sadd.s32 $0x10800, s26  }
0xc2: {  	v8 =	vmov s1;
	v9 =	vld [tilespmem:s24+$0x0];
	v12 =	vadd.s32 v0, v16;
	[tilespmem:v5+s28+$0x0] =	vst.idx.msk $0xffff, v4  }
0xc3: {  	v8 =	vand.u32 $0x7D, v8;
	s31 =	simm.s32 $0x7;
	v14 =	vadd.s32 v1, v2;
	[tilespmem:v7+s28+$0x0] =	vst.idx.msk $0xffff, v6;
	v6 =	vld [tilespmem:s24+$0x30]  }
0xc4: {  	v10 =	vld [tilespmem:s24+$0xFFFFFFE0];
	s1 =	simm.s32 $0x4;
	v11 =	vadd.s32 v0, v8;
	v4 =	vmov s31  }
0xc5: {  	s29 =	sadd.s32 $0x80, s24;
	s15 =	simm.s32 $0x5;
	v18 =	vadd.s32 v1, v3;
	v2 =	vmov s1;
	v17 =	vld [tilespmem:s24+$0xFFFFFFD0];
	v4 =	vand.u32 $0x7F, v4  }
0xc6: {  	v19 =	vld [tilespmem:s29+$0x20];
	s31 =	simm.s32 $0x6;
	v5 =	vand.u32 $0x7C, v2;
	v2 =	vmov s15;
	v20 =	vadd.s32 v0, v4  }
0xc7: {  	v13 =	vld [tilespmem:s29+$0xFFFFFFC0];
	[tilespmem:v12+s28+$0x0] =	vst.idx.msk $0xffff, v9;
	v7 =	vmov s31;
	v15 =	vadd.s32 v0, v5;
	v3 =	vand.u32 $0x7D, v2  }
0xc8: {  	v12 =	vld [tilespmem:s29+$0xFFFFFFE0];
	v2 =	vand.u32 $0x7E, v7;
	[tilespmem:v14+s28+$0x0] =	vst.idx.msk $0xffff, v6;
	v14 =	vadd.s32 v0, v3  }
0xc9: {  	[tilespmem:v11+s28+$0x0] =	vst.idx.msk $0xffff, v10;
	v7 =	vld [tilespmem:s29+$0x0];
	v10 =	vadd.s32 v0, v2  }
0xca: {  	s0 =	simm.s32 $0xC;
	v8 =	vadd.s32 v1, v8;
	[tilespmem:v18+s28+$0x0] =	vst.idx.msk $0xffff, v17;
	v6 =	vld [tilespmem:s24+$0xFFFFFFF0]  }
0xcb: {  	s30 =	smov.u32 s29;
	s1 =	simm.s32 $0x8;
	s15 =	simm.s32 $0xB;
	v11 =	vadd.s32 v1, v16;
	v9 =	vld [tilespmem:s24+$0x10];
	[tilespmem:v20+s28+$0x0] =	vst.idx.msk $0xffff, v19  }
.LBB2_8:
0xcc: {  	p1 =	slt.u32 s0, $0x7C;
	v16 =	vmov s15;
	[tilespmem:v15+s28+$0x0] =	vst.idx.msk $0xffff, v13;
	v17 =	vld [tilespmem:s29+$0x30];
	v18 =	vadd.s32 v1, v4  }
0xcd: {  	v13 =	vmov s1;
	s15 =	sadd.s32 $0x1, s1;
	v19 =	vadd.s32 v1, v5;
	s29 =	sadd.s32 $0x80, s29;
	v4 =	vand.u32 $0x7F, v16;
	v16 =	vld [tilespmem:s30+$0xFFFFFFD0];
	[tilespmem:v14+s28+$0x0] =	vst.idx.msk $0xffff, v12  }
0xce: {  	v5 =	vand.u32 $0x7C, v13;
	v12 =	vmov s15;
	s15 =	sadd.s32 $0x2, s1;
	s1 =	smov.u32 s0;
	v20 =	vld [tilespmem:s29+$0x20];
	v21 =	vadd.s32 v0, v4;
	[tilespmem:v10+s28+$0x0] =	vst.idx.msk $0xffff, v7  }
.Ltmp4:
0xcf: {  	v15 =	vadd.s32 v0, v5;
	v22 =	vand.u32 $0x7D, v12;
	v7 =	vmov s15;
	v13 =	vld [tilespmem:s29+$0xFFFFFFC0];
	[tilespmem:v8+s28+$0x0] =	vst.idx.msk $0xffff, v6;
	(pc) =	sbr.rel @p1 .LBB2_8-.Ltmp4, $4  }
0xd0: {  	v14 =	vadd.s32 v0, v22;
	v23 =	vand.u32 $0x7E, v7;
	v12 =	vld [tilespmem:s29+$0xFFFFFFE0];
	[tilespmem:v11+s28+$0x0] =	vst.idx.msk $0xffff, v9  }
0xd1: {  	v10 =	vadd.s32 v0, v23;
	v7 =	vld [tilespmem:s29+$0x0];
	[tilespmem:v18+s28+$0x0] =	vst.idx.msk $0xffff, v17  }
0xd2: {  	v8 =	vadd.s32 v1, v3;
	v3 =	vmov v22;
	[tilespmem:v19+s28+$0x0] =	vst.idx.msk $0xffff, v16;
	v6 =	vld [tilespmem:s30+$0xFFFFFFF0]  }
0xd3: {  	s0 =	sadd.s32 $0x4, s0;
	s15 =	sadd.s32 $0x3, s1;
	v11 =	vadd.s32 v1, v2;
	v2 =	vmov v23;
	[tilespmem:v21+s28+$0x0] =	vst.idx.msk $0xffff, v20;
	v9 =	vld [tilespmem:s30+$0x10];
	s30 =	smov.u32 s29  }
0xd4: {  	_ =	sdelay $0x3  }
0xd5: {  	v16 =	vmov s15;
	[tilespmem:v15+s28+$0x0] =	vst.idx.msk $0xffff, v13;
	v46 =	vld [tilespmem:s29+$0x30];
	v4 =	vadd.s32 v1, v4  }
0xd6: {  	v47 =	vmov s1;
	s0 =	sadd.s32 $0x1, s1;
	v5 =	vadd.s32 v1, v5;
	s31 =	sadd.s32 $0x80, s29;
	v16 =	vand.u32 $0x7F, v16;
	v17 =	vld [tilespmem:s30+$0xFFFFFFD0];
	[tilespmem:v14+s28+$0x0] =	vst.idx.msk $0xffff, v12  }
0xd7: {  	s1 =	sadd.s32 $0x2, s1;
	v48 =	vand.u32 $0x7C, v47;
	v49 =	vmov s0;
	v50 =	vld [tilespmem:s31+$0x20];
	v18 =	vadd.s32 v0, v16;
	[tilespmem:v10+s28+$0x0] =	vst.idx.msk $0xffff, v7  }
0xd8: {  	v51 =	vld [tilespmem:s31+$0xFFFFFFC0];
	v19 =	vmov s1;
	v52 =	vadd.s32 v0, v48;
	v14 =	vand.u32 $0x7D, v49;
	[tilespmem:v8+s28+$0x0] =	vst.idx.msk $0xffff, v6  }
0xd9: {  	v53 =	vld [tilespmem:s31+$0xFFFFFFE0];
	v19 =	vand.u32 $0x7E, v19;
	v54 =	vadd.s32 v0, v14;
	[tilespmem:v11+s28+$0x0] =	vst.idx.msk $0xffff, v9  }
0xda: {  	v55 =	vld [tilespmem:s31+$0x0];
	v56 =	vadd.s32 v0, v19;
	[tilespmem:v4+s28+$0x0] =	vst.idx.msk $0xffff, v46  }
0xdb: {  	v3 =	vadd.s32 v1, v3;
	v57 =	vld [tilespmem:s30+$0xFFFFFFF0];
	[tilespmem:v5+s28+$0x0] =	vst.idx.msk $0xffff, v17  }
0xdc: {  	v2 =	vadd.s32 v1, v2;
	v58 =	vld [tilespmem:s30+$0x10];
	[tilespmem:v18+s28+$0x0] =	vst.idx.msk $0xffff, v50  }
0xdd: {  	v60 =	vadd.s32 v1, v16;
	[tilespmem:v52+s28+$0x0] =	vst.idx.msk $0xffff, v51;
	v59 =	vld [tilespmem:s31+$0x30]  }
0xde: {  	v12 =	vadd.s32 v1, v48;
	v61 =	vld [tilespmem:s31+$0xFFFFFFD0];
	[tilespmem:v54+s28+$0x0] =	vst.idx.msk $0xffff, v53  }
0xdf: {  	v62 =	vadd.s32 v1, v14;
	[tilespmem:v56+s28+$0x0] =	vst.idx.msk $0xffff, v55;
	v6 =	vld [tilespmem:s31+$0xFFFFFFF0]  }
0xe0: {  	v63 =	vadd.s32 v1, v19;
	[tilespmem:v3+s28+$0x0] =	vst.idx.msk $0xffff, v57;
	v3 =	vld [tilespmem:s31+$0x10]  }
0xe1: {  	[tilespmem:v2+s28+$0x0] =	vst.idx.msk $0xffff, v58  }
0xe2: {  	[tilespmem:v60+s28+$0x0] =	vst.idx.msk $0xffff, v59  }
0xe3: {  	s29 =	sshll.u32 s25, $0x10;
	[tilespmem:v12+s28+$0x0] =	vst.idx.msk $0xffff, v61  }
0xe4: {  	s29 =	sadd.s32 s22, s29;
	[tilespmem:v62+s28+$0x0] =	vst.idx.msk $0xffff, v6  }
0xe5: {  	s0 =	sadd.s32 s2, s29;
	[tilespmem:v63+s28+$0x0] =	vst.idx.msk $0xffff, v3  }
0xe6: {  	[hbm4b:s0+s3] =	stream.linear.scatter [tilespmem:s28], [sflag:$0x2], $0x80, $0x38;
	[tilespmem:$0x19000] =	vst v63  }
0xe7: {  	s30 =	sadd.s32 $0x10888, s26;
	s31 =	sadd.s32 $0x10, s0  }
0xe8: {  	[hbm4b:s31+s3] =	stream.linear.scatter [tilespmem:s30], [sflag:$0x2], $0x80, $0x38;
	[tilespmem:$0x19000] =	vst v63  }
0xe9: {  	s15 =	sadd.s32 $0x10910, s26;
	s28 =	sadd.s32 $0x20, s0  }
0xea: {  	[hbm4b:s28+s3] =	stream.linear.scatter [tilespmem:s15], [sflag:$0x2], $0x80, $0x38;
	[tilespmem:$0x19000] =	vst v63  }
0xeb: {  	s30 =	sadd.s32 $0x10998, s26;
	s31 =	sadd.s32 $0x30, s0  }
0xec: {  	[hbm4b:s31+s3] =	stream.linear.scatter [tilespmem:s30], [sflag:$0x2], $0x80, $0x38;
	[tilespmem:$0x19000] =	vst v63  }
0xed: {  	s15 =	sadd.s32 $0x10A20, s26;
	s28 =	sadd.s32 $0x40, s0  }
0xee: {  	[hbm4b:s28+s3] =	stream.linear.scatter [tilespmem:s15], [sflag:$0x2], $0x80, $0x38;
	[tilespmem:$0x19000] =	vst v63  }
0xef: {  	s30 =	sadd.s32 $0x10AA8, s26;
	s31 =	sadd.s32 $0x50, s0  }
0xf0: {  	[hbm4b:s31+s3] =	stream.linear.scatter [tilespmem:s30], [sflag:$0x2], $0x80, $0x38;
	[tilespmem:$0x19000] =	vst v63  }
0xf1: {  	s15 =	sadd.s32 $0x10B30, s26;
	s28 =	sadd.s32 $0x60, s0  }
0xf2: {  	[hbm4b:s28+s3] =	stream.linear.scatter [tilespmem:s15], [sflag:$0x2], $0x80, $0x38;
	[tilespmem:$0x19000] =	vst v63  }
0xf3: {  	s0 =	sadd.s32 $0x70, s0;
	s30 =	sadd.s32 $0x10BB8, s26  }
0xf4: {  	[hbm4b:s0+s3] =	stream.linear.scatter [tilespmem:s30], [sflag:$0x2], $0x80, $0x38;
	[tilespmem:$0x19000] =	vst v63  }
0xf5: {  	s31 =	sadd.s32 $0x10C40, s26;
	s0 =	sadd.s32 s29, s8  }
0xf6: {  	[hbm4b:s0+s3] =	stream.linear.scatter [tilespmem:s31], [sflag:$0x2], $0x80, $0x38;
	[tilespmem:$0x19000] =	vst v63  }
0xf7: {  	s15 =	sadd.s32 $0x10CC8, s26;
	s28 =	sadd.s32 $0x10, s0  }
0xf8: {  	[hbm4b:s28+s3] =	stream.linear.scatter [tilespmem:s15], [sflag:$0x2], $0x80, $0x38;
	[tilespmem:$0x19000] =	vst v63  }
0xf9: {  	s30 =	sadd.s32 $0x10D50, s26;
	s31 =	sadd.s32 $0x20, s0  }
0xfa: {  	[hbm4b:s31+s3] =	stream.linear.scatter [tilespmem:s30], [sflag:$0x2], $0x80, $0x38;
	[tilespmem:$0x19000] =	vst v63  }
0xfb: {  	s15 =	sadd.s32 $0x10DD8, s26;
	s28 =	sadd.s32 $0x30, s0  }
0xfc: {  	[hbm4b:s28+s3] =	stream.linear.scatter [tilespmem:s15], [sflag:$0x2], $0x80, $0x38;
	[tilespmem:$0x19000] =	vst v63  }
0xfd: {  	s30 =	sadd.s32 $0x10E60, s26;
	s31 =	sadd.s32 $0x40, s0  }
0xfe: {  	[hbm4b:s31+s3] =	stream.linear.scatter [tilespmem:s30], [sflag:$0x2], $0x80, $0x38;
	[tilespmem:$0x19000] =	vst v63  }
0xff: {  	s15 =	sadd.s32 $0x10EE8, s26;
	s28 =	sadd.s32 $0x50, s0  }
0x100: {  	[hbm4b:s28+s3] =	stream.linear.scatter [tilespmem:s15], [sflag:$0x2], $0x80, $0x38;
	[tilespmem:$0x19000] =	vst v63  }
0x101: {  	s30 =	sadd.s32 $0x10F70, s26;
	s31 =	sadd.s32 $0x60, s0  }
0x102: {  	[hbm4b:s31+s3] =	stream.linear.scatter [tilespmem:s30], [sflag:$0x2], $0x80, $0x38;
	[tilespmem:$0x19000] =	vst v63  }
0x103: {  	s0 =	sadd.s32 $0x70, s0;
	s15 =	sadd.s32 $0x10FF8, s26  }
0x104: {  	[hbm4b:s0+s3] =	stream.linear.scatter [tilespmem:s15], [sflag:$0x2], $0x80, $0x38;
	[tilespmem:$0x19000] =	vst v63  }
0x105: {  	s28 =	sadd.s32 $0x11080, s26;
	s0 =	sadd.s32 s29, s9  }
0x106: {  	[hbm4b:s0+s3] =	stream.linear.scatter [tilespmem:s28], [sflag:$0x2], $0x80, $0x38;
	[tilespmem:$0x19000] =	vst v63  }
0x107: {  	s30 =	sadd.s32 $0x11108, s26;
	s31 =	sadd.s32 $0x10, s0  }
0x108: {  	[hbm4b:s31+s3] =	stream.linear.scatter [tilespmem:s30], [sflag:$0x2], $0x80, $0x38;
	[tilespmem:$0x19000] =	vst v63  }
0x109: {  	s15 =	sadd.s32 $0x11190, s26;
	s28 =	sadd.s32 $0x20, s0  }
0x10a: {  	[hbm4b:s28+s3] =	stream.linear.scatter [tilespmem:s15], [sflag:$0x2], $0x80, $0x38;
	[tilespmem:$0x19000] =	vst v63  }
0x10b: {  	s30 =	sadd.s32 $0x11218, s26;
	s31 =	sadd.s32 $0x30, s0  }
0x10c: {  	[hbm4b:s31+s3] =	stream.linear.scatter [tilespmem:s30], [sflag:$0x2], $0x80, $0x38;
	[tilespmem:$0x19000] =	vst v63  }
0x10d: {  	s15 =	sadd.s32 $0x112A0, s26;
	s28 =	sadd.s32 $0x40, s0  }
0x10e: {  	[hbm4b:s28+s3] =	stream.linear.scatter [tilespmem:s15], [sflag:$0x2], $0x80, $0x38;
	[tilespmem:$0x19000] =	vst v63  }
0x10f: {  	s30 =	sadd.s32 $0x11328, s26;
	s31 =	sadd.s32 $0x50, s0  }
0x110: {  	[hbm4b:s31+s3] =	stream.linear.scatter [tilespmem:s30], [sflag:$0x2], $0x80, $0x38;
	[tilespmem:$0x19000] =	vst v63  }
0x111: {  	s28 =	sadd.s32 $0x113B0, s26;
	s30 =	sadd.s32 $0x60, s0  }
0x112: {  	[hbm4b:s30+s3] =	stream.linear.scatter [tilespmem:s28], [sflag:$0x2], $0x80, $0x38;
	[tilespmem:$0x19000] =	vst v63  }
0x113: {  	s31 =	sadd.s32 $0x11438, s26;
	s0 =	sadd.s32 $0x70, s0  }
0x114: {  	[hbm4b:s0+s3] =	stream.linear.scatter [tilespmem:s31], [sflag:$0x2], $0x80, $0x38;
	[tilespmem:$0x19000] =	vst v63  }
0x115: {  	s15 =	sadd.s32 $0x114C0, s26;
	s0 =	sadd.s32 s29, s10  }
0x116: {  	[hbm4b:s0+s3] =	stream.linear.scatter [tilespmem:s15], [sflag:$0x2], $0x80, $0x38;
	[tilespmem:$0x19000] =	vst v63  }
0x117: {  	s28 =	sadd.s32 $0x11548, s26;
	s29 =	sadd.s32 $0x10, s0  }
0x118: {  	[hbm4b:s29+s3] =	stream.linear.scatter [tilespmem:s28], [sflag:$0x2], $0x80, $0x38;
	[tilespmem:$0x19000] =	vst v63  }
0x119: {  	s30 =	sadd.s32 $0x115D0, s26;
	s31 =	sadd.s32 $0x20, s0  }
0x11a: {  	[hbm4b:s31+s3] =	stream.linear.scatter [tilespmem:s30], [sflag:$0x2], $0x80, $0x38;
	[tilespmem:$0x19000] =	vst v63  }
0x11b: {  	s28 =	sadd.s32 $0x11658, s26;
	s29 =	sadd.s32 $0x30, s0  }
0x11c: {  	[hbm4b:s29+s3] =	stream.linear.scatter [tilespmem:s28], [sflag:$0x2], $0x80, $0x38;
	[tilespmem:$0x19000] =	vst v63  }
0x11d: {  	s25 =	sadd.s32 $0x1, s25;
	s30 =	sadd.s32 $0x116E0, s26;
	s31 =	sadd.s32 $0x40, s0  }
0x11e: {  	[hbm4b:s31+s3] =	stream.linear.scatter [tilespmem:s30], [sflag:$0x2], $0x80, $0x38;
	[tilespmem:$0x19000] =	vst v63  }
0x11f: {  	p1 =	sne.s32 s25, $0x8;
	s15 =	sadd.s32 $0x11768, s26;
	s28 =	sadd.s32 $0x50, s0  }
0x120: {  	[hbm4b:s28+s3] =	stream.linear.scatter [tilespmem:s15], [sflag:$0x2], $0x80, $0x38;
	[tilespmem:$0x19000] =	vst v63  }
.Ltmp5:
0x121: {  	_ = 	snop;
	(pc) =	sbr.rel @p1 .LBB2_7-.Ltmp5, $4  }
0x122: {  	s29 =	sadd.s32 $0x117F0, s26;
	s30 =	sadd.s32 $0x60, s0  }
0x123: {  	[hbm4b:s30+s3] =	stream.linear.scatter [tilespmem:s29], [sflag:$0x2], $0x80, $0x38;
	[tilespmem:$0x19000] =	vst v63  }
0x124: {  	s24 =	sadd.s32 $0x1000, s24;
	s31 =	sadd.s32 $0x11878, s26;
	s0 =	sadd.s32 $0x70, s0  }
0x125: {  	[hbm4b:s0+s3] =	stream.linear.scatter [tilespmem:s31], [sflag:$0x2], $0x80, $0x38;
	[tilespmem:$0x19000] =	vst v63  }
.Ltmp6:
0x126: {  	(pc) =	sbr.rel @p0 .LBB2_12-.Ltmp6, $1  }
0x127: {  	_ =	sdelay $0x3  }
.Ltmp7:
0x128: {  	(pc) =	sbr.rel .LBB2_2-.Ltmp7, $4  }
0x129: {  	_ =	swait.ge [sflag:s19], $0x400  }
0x12a: {  	[sflag:s19] =	ssyncset.done $0x0  }
0x12b: {  	s21 =	sadd.s32 $0x1, s21;
	[sflag:s19] =	ssyncadd.s32 $0xFFFFFC00  }
0x12c: {  	[tilespmem:s16], [sflag:$0x1] =	stream.indirect.gather [hbm4b:s4+s14], $0x20, s14, s14, $0xb8;
	[tilespmem:$0x19000] =	vst v63  }
.LBB2_13:
0x12d: {  	_ =	sfence.sel $0x180000  }
0x12e: {  	[bflag:$0x0] =	sbarrier.arrive $0xFFFF  }
0x12f: {  	_ =	strace $0x90000047  }
0x130: {  	s0 =	stileid.u32;
	[bflag:$0x2] =	sbarrier.arrive $0xFFFF  }
0x131: {  	p0 =	sne.s32 s0, $0x0;
	s0 =	rddreg [dreg:$0x3]  }
0x132: {  	s0 =	sadd.s32 @!p0 $0x100000, s0  }
0x133: {  	[sflag:s0] =	ssyncadd.tile.s32 @!p0 $0x1;
	_ =	shalt  }
.Lfunc_end2:
_tile_overlayer_lowered:
.L_overlay_start_2:
0x134: {  	(tag) =	ssettag $0x2  }
0x135: {  	s0 =	rddreg [dreg:$0x0];
	s2 =	stileid.u32  }
0x136: {  	s1 =	rddreg [dreg:$0x1];
	p0 =	sne.s32 s2, $0x0  }
0x137: {  	s3 =	rddreg [dreg:$0x2];
	[bflag:$0x3] =	sbarrier.arrive $0xFFFF;
	s2 =	simm.s32 @!p0 $0x1C04  }
0x138: {  	[timem:s3], [sflag:s2] =	dma.local @!p0 [hbm:s0], s1  }
0x139: {  	s0 =	simm.s32 @!p0 $0x4  }
0x13a: {  	_ =	swait.ge @!p0 [sflag:s0], s1  }
0x13b: {  	s1 =	ssub.s32 @!p0 $0x0, s1;
	[sflag:s0] =	ssyncset.done @!p0 $0x0  }
0x13c: {  	[sflag:s0] =	ssyncadd.s32 @!p0 s1  }
0x13d: {  	[bflag:$0x3] =	sbarrier.arrive $0xFFFF  }
0x13e: {  	_ =	shalt  }

</sc_bundles>
